<compile_context>
chip_gen: v7x
topology: tpu7x:2x2x1
jax: 0.10.2.dev20260603
libtpu: 0.0.44.dev20260713+nightly
codegen_flags: <defaults>
</compile_context>

<pallas_src>
import functools

import jax
import jax.numpy as jnp
from jax import lax
from jax.experimental import pallas as pl
from jax.experimental.pallas import tpu as pltpu
from jax.experimental.pallas import tpu_sc as plsc

D_MODEL = 4096
B_TOTAL = 4 * 2048
NUM_CORES = 2
NUM_SUBCORES = 16
NUM_WORKERS = NUM_CORES * NUM_SUBCORES
B_PER_W = B_TOTAL // NUM_WORKERS
CHUNK = 4
NCHUNK = B_PER_W // CHUNK
NBUF = 4
NSLOT = 2
AHEAD = 2

_mesh = plsc.VectorSubcoreMesh(
    core_axis_name="c", subcore_axis_name="s",
    num_cores=NUM_CORES, num_subcores=NUM_SUBCORES)


@functools.partial(
    pl.kernel,
    out_type=jax.ShapeDtypeStruct((B_TOTAL, D_MODEL), jnp.float32),
    mesh=_mesh,
    scratch_types=[
        pltpu.VMEM((NCHUNK, CHUNK), jnp.int32),
        pltpu.VMEM((NBUF, CHUNK, D_MODEL), jnp.float32),
        pltpu.VMEM_SHARED((NUM_SUBCORES, NSLOT, CHUNK, D_MODEL), jnp.float32),
        [pltpu.SemaphoreType.DMA] * NBUF,
        [pltpu.SemaphoreType.DMA] * NBUF,
        [pltpu.SemaphoreType.DMA] * NSLOT,
    ],
)
def _embed_sc(idx_hbm, table_hbm, out_hbm, idx_v, bufs, sh,
              gsems, xsems, wsems):
    sid = lax.axis_index("s")
    wid = sid * NUM_CORES + lax.axis_index("c")
    base = wid * B_PER_W
    pltpu.sync_copy(idx_hbm.at[pl.ds(wid * NCHUNK, NCHUNK)], idx_v)

    def gather(c, b):
        pltpu.async_copy(table_hbm.at[idx_v.at[c]], bufs.at[b], gsems[b])

    def wait_gather(b):
        pltpu.make_async_copy(
            table_hbm.at[pl.ds(0, CHUNK)], bufs.at[b], gsems[b]).wait()

    def xbar(b, slot):
        pltpu.async_copy(bufs.at[b], sh.at[sid, slot], xsems[b])

    def wait_x(b):
        pltpu.make_async_copy(
            table_hbm.at[pl.ds(0, CHUNK)], bufs.at[b], xsems[b]).wait()

    def write(c, slot):
        pltpu.async_copy(sh.at[sid, slot],
                         out_hbm.at[pl.ds(base + c * CHUNK, CHUNK)],
                         wsems[slot])

    def wait_write(slot):
        pltpu.make_async_copy(
            sh.at[sid, slot], out_hbm.at[pl.ds(0, CHUNK)], wsems[slot]).wait()

    for c0 in range(AHEAD):
        gather(c0, c0)

    def round_(r, _):
        for j in range(NBUF):
            c = NBUF * r + j
            bn = (j + AHEAD) % NBUF
            sl = j % NSLOT

            @pl.when(c + AHEAD < NCHUNK)
            def _():
                gather(c + AHEAD, bn)

            wait_gather(j)

            @pl.when(c >= AHEAD)
            def _():
                wait_write(sl)

            xbar(j, sl)
            wait_x(j)
            write(c, sl)
        return _

    lax.fori_loop(0, NCHUNK // NBUF, round_, None)

    wait_write(0)
    wait_write(1)


def kernel(input_ids, table):
    ids_2d = input_ids.reshape(-1, CHUNK)
    out = _embed_sc(ids_2d, table)
    return out.reshape(input_ids.shape + (table.shape[1],))

# --- scband reference (transcript-rebuilt; emitter-appended) ---
"""Pipeline reference for scband-embedding-37254546326197 (READ-ONLY COPY).

The authoritative reference and input builder live on the scoring server;
editing this copy changes nothing except your own understanding.
"""

import jax, jax.numpy as jnp
import numpy as np

VOCAB = 65024
D_MODEL = 4096
BATCH = 4
SEQ = 2048


def setup_inputs(seed: int = 0) -> dict:
    key = jax.random.key(seed)
    k_idx, k_tab = jax.random.split(key)
    input_ids = jax.random.randint(k_idx, (BATCH, SEQ), 0, VOCAB, dtype=jnp.int32)
    # learned parameter: word embedding table sized per init_kwargs
    table = jax.random.normal(k_tab, (VOCAB, D_MODEL), dtype=jnp.float32) * 0.02
    return {"input_ids": input_ids, "table": table}


def reference(input_ids, table):
    # faithful translation of transformer.word_embeddings(input_ids)
    return jnp.take(table, input_ids, axis=0)

if __name__ == "__main__":
    import jax
    _d = setup_inputs()
    print(jax.jit(kernel)(*tuple(_d.values())))

</pallas_src>

<mosaic_0001>
#map = affine_map<(d0, d1) -> (0, 0)>
module attributes {stable_mosaic.version = 14 : i64} {
  func.func @_embed_sc(%arg0: i32, %arg1: i32, %arg2: memref<2048x4xi32, #tpu.memory_space<hbm>>, %arg3: memref<65024x4096xf32, #tpu.memory_space<hbm>>, %arg4: memref<8192x4096xf32, #tpu.memory_space<hbm>>, %arg5: memref<64x4xi32, #tpu.memory_space<vmem>>, %arg6: memref<4x4x4096xf32, #tpu.memory_space<vmem>>, %arg7: memref<16x2x4x4096xf32, #tpu.memory_space<vmem_shared>>, %arg8: memref<!tpu.dma_semaphore, #tpu.memory_space<semaphore_mem>>, %arg9: memref<!tpu.dma_semaphore, #tpu.memory_space<semaphore_mem>>, %arg10: memref<!tpu.dma_semaphore, #tpu.memory_space<semaphore_mem>>, %arg11: memref<!tpu.dma_semaphore, #tpu.memory_space<semaphore_mem>>, %arg12: memref<!tpu.dma_semaphore, #tpu.memory_space<semaphore_mem>>, %arg13: memref<!tpu.dma_semaphore, #tpu.memory_space<semaphore_mem>>, %arg14: memref<!tpu.dma_semaphore, #tpu.memory_space<semaphore_mem>>, %arg15: memref<!tpu.dma_semaphore, #tpu.memory_space<semaphore_mem>>, %arg16: memref<!tpu.dma_semaphore, #tpu.memory_space<semaphore_mem>>, %arg17: memref<!tpu.dma_semaphore, #tpu.memory_space<semaphore_mem>>) attributes {dimension_semantics = [#tpu.dimension_semantics<core_parallel>, #tpu.dimension_semantics<subcore_parallel>], iteration_bounds = array<i64: 2, 16>, scalar_prefetch = 0 : i64, scratch_operands = 13 : i64, tpu.core_type = #tpu.core_type<sc_vector_subcore>, window_params = [{transform_indices = #map}, {transform_indices = #map}, {transform_indices = #map}]} {
    %mul3A = arith.constant 2 : i32
    %mul3A_0 = arith.muli %arg1, %mul3A : i32
    %add3A = arith.addi %mul3A_0, %arg0 : i32
    %mul3A_1 = arith.constant 256 : i32
    %mul3A_2 = arith.muli %add3A, %mul3A_1 : i32
    %mul3A_3 = arith.constant 64 : i32
    %mul3A_4 = arith.muli %add3A, %mul3A_3 : i32
    "tpu.region"() ({
      %run_scoped3A = tpu.sem_alloc : memref<!tpu.dma_semaphore, #tpu.memory_space<semaphore_mem>>
      %dma_start3A_47 = arith.constant 0 : i32
      %dma_start3A_48 = tpu.memref_slice %arg2[%mul3A_4, %dma_start3A_47] : memref<2048x4xi32, #tpu.memory_space<hbm>> -> memref<64x4xi32, #tpu.memory_space<hbm>>
      %dma_start3A_49 = arith.constant 0 : i32
      %dma_start3A_50 = tpu.memref_slice %arg2[%mul3A_4, %dma_start3A_49] : memref<2048x4xi32, #tpu.memory_space<hbm>> -> memref<64x4xi32, #tpu.memory_space<hbm>>
      tpu.enqueue_dma source(%dma_start3A_50 : memref<64x4xi32, #tpu.memory_space<hbm>>) target(%arg5 : memref<64x4xi32, #tpu.memory_space<vmem>>) target_semaphore(%run_scoped3A : memref<!tpu.dma_semaphore, #tpu.memory_space<semaphore_mem>>)
      %dma_wait3A_51 = arith.constant 0 : i32
      %dma_wait3A_52 = tpu.memref_slice %arg2[%mul3A_4, %dma_wait3A_51] : memref<2048x4xi32, #tpu.memory_space<hbm>> -> memref<64x4xi32, #tpu.memory_space<hbm>>
      %dma_wait3A_53 = arith.constant 0 : i32
      %dma_wait3A_54 = tpu.memref_slice %arg2[%mul3A_4, %dma_wait3A_53] : memref<2048x4xi32, #tpu.memory_space<hbm>> -> memref<64x4xi32, #tpu.memory_space<hbm>>
      tpu.wait_dma2 semaphore(%run_scoped3A : memref<!tpu.dma_semaphore, #tpu.memory_space<semaphore_mem>>) src(%dma_wait3A_54 : memref<64x4xi32, #tpu.memory_space<hbm>>) dst(%arg5 : memref<64x4xi32, #tpu.memory_space<vmem>>)
      tpu.yield
    }) : () -> ()
    %dma_start3A = arith.constant 0 : i32
    %dma_start3A_5 = arith.constant 0 : i32
    %dma_start3A_6 = arith.constant 0 : i32
    %dma_start3A_7 = arith.constant 0 : i32
    %dma_start3A_8 = tpu.memref_slice %arg6[%dma_start3A_5, %dma_start3A_6, %dma_start3A_7] : memref<4x4x4096xf32, #tpu.memory_space<vmem>> -> memref<1x4x4096xf32, #tpu.memory_space<vmem>>
    %dma_start3A_9 = tpu.memref_squeeze %dma_start3A_8 : memref<1x4x4096xf32, #tpu.memory_space<vmem>> -> memref<4x4096xf32, #tpu.memory_space<vmem>>
    %dma_start3A_10 = arith.constant 0 : i32
    %dma_start3A_11 = tpu.memref_slice %arg5[%dma_start3A, %dma_start3A_10] : memref<64x4xi32, #tpu.memory_space<vmem>> -> memref<1x4xi32, #tpu.memory_space<vmem>>
    %dma_start3A_12 = tpu.memref_squeeze %dma_start3A_11 : memref<1x4xi32, #tpu.memory_space<vmem>> -> memref<4xi32, #tpu.memory_space<vmem>>
    %dma_start3A_13 = arith.constant 0 : i32
    %dma_start3A_14 = arith.constant 0 : i32
    %dma_start3A_15 = tpu.memref_slice %arg3[%dma_start3A_13, %dma_start3A_14] : memref<65024x4096xf32, #tpu.memory_space<hbm>> -> memref<65024x4096xf32, #tpu.memory_space<hbm>>
    tpu.enqueue_indirect_dma source(%dma_start3A_15 : memref<65024x4096xf32, #tpu.memory_space<hbm>>) target(%dma_start3A_9 : memref<4x4096xf32, #tpu.memory_space<vmem>>) offsets(%dma_start3A_12 : memref<4xi32, #tpu.memory_space<vmem>>) semaphore(%arg8 : memref<!tpu.dma_semaphore, #tpu.memory_space<semaphore_mem>>)
    %dma_start3A_16 = arith.constant 1 : i32
    %dma_start3A_17 = arith.constant 1 : i32
    %dma_start3A_18 = arith.constant 0 : i32
    %dma_start3A_19 = arith.constant 0 : i32
    %dma_start3A_20 = tpu.memref_slice %arg6[%dma_start3A_17, %dma_start3A_18, %dma_start3A_19] : memref<4x4x4096xf32, #tpu.memory_space<vmem>> -> memref<1x4x4096xf32, #tpu.memory_space<vmem>>
    %dma_start3A_21 = tpu.memref_squeeze %dma_start3A_20 : memref<1x4x4096xf32, #tpu.memory_space<vmem>> -> memref<4x4096xf32, #tpu.memory_space<vmem>>
    %dma_start3A_22 = arith.constant 0 : i32
    %dma_start3A_23 = tpu.memref_slice %arg5[%dma_start3A_16, %dma_start3A_22] : memref<64x4xi32, #tpu.memory_space<vmem>> -> memref<1x4xi32, #tpu.memory_space<vmem>>
    %dma_start3A_24 = tpu.memref_squeeze %dma_start3A_23 : memref<1x4xi32, #tpu.memory_space<vmem>> -> memref<4xi32, #tpu.memory_space<vmem>>
    %dma_start3A_25 = arith.constant 0 : i32
    %dma_start3A_26 = arith.constant 0 : i32
    %dma_start3A_27 = tpu.memref_slice %arg3[%dma_start3A_25, %dma_start3A_26] : memref<65024x4096xf32, #tpu.memory_space<hbm>> -> memref<65024x4096xf32, #tpu.memory_space<hbm>>
    tpu.enqueue_indirect_dma source(%dma_start3A_27 : memref<65024x4096xf32, #tpu.memory_space<hbm>>) target(%dma_start3A_21 : memref<4x4096xf32, #tpu.memory_space<vmem>>) offsets(%dma_start3A_24 : memref<4xi32, #tpu.memory_space<vmem>>) semaphore(%arg9 : memref<!tpu.dma_semaphore, #tpu.memory_space<semaphore_mem>>)
    %scan3A = arith.constant 0 : i32
    %scan3A_28 = arith.constant 16 : i32
    %scan3A_29 = arith.addi %scan3A, %scan3A_28 : i32
    %scan3A_30 = arith.constant 1 : i32
    scf.for %scan3A_47 = %scan3A to %scan3A_29 step %scan3A_30  : i32 {
      %mul3A_48 = arith.constant 4 : i32
      %mul3A_49 = arith.muli %mul3A_48, %scan3A_47 : i32
      %add3A_50 = arith.constant 0 : i32
      %add3A_51 = arith.addi %mul3A_49, %add3A_50 : i32
      %add3A_52 = arith.constant 2 : i32
      %add3A_53 = arith.addi %add3A_51, %add3A_52 : i32
      %lt3A = arith.constant 64 : i32
      %lt3A_54 = arith.cmpi slt, %add3A_53, %lt3A : i32
      %convert_element_type3A = arith.extui %lt3A_54 : i1 to i32
      %cond3A = arith.constant 0 : i32
      %cond3A_55 = arith.cmpi ne, %convert_element_type3A, %cond3A : i32
      scf.if %cond3A_55 {
        %add3A_340 = arith.constant 2 : i32
        %add3A_341 = arith.addi %add3A_51, %add3A_340 : i32
        %dma_start3A_342 = arith.constant 2 : i32
        %dma_start3A_343 = arith.constant 0 : i32
        %dma_start3A_344 = arith.constant 0 : i32
        %dma_start3A_345 = tpu.memref_slice %arg6[%dma_start3A_342, %dma_start3A_343, %dma_start3A_344] : memref<4x4x4096xf32, #tpu.memory_space<vmem>> -> memref<1x4x4096xf32, #tpu.memory_space<vmem>>
        %dma_start3A_346 = tpu.memref_squeeze %dma_start3A_345 : memref<1x4x4096xf32, #tpu.memory_space<vmem>> -> memref<4x4096xf32, #tpu.memory_space<vmem>>
        %dma_start3A_347 = arith.constant 0 : i32
        %dma_start3A_348 = tpu.memref_slice %arg5[%add3A_341, %dma_start3A_347] : memref<64x4xi32, #tpu.memory_space<vmem>> -> memref<1x4xi32, #tpu.memory_space<vmem>>
        %dma_start3A_349 = tpu.memref_squeeze %dma_start3A_348 : memref<1x4xi32, #tpu.memory_space<vmem>> -> memref<4xi32, #tpu.memory_space<vmem>>
        %dma_start3A_350 = arith.constant 0 : i32
        %dma_start3A_351 = arith.constant 0 : i32
        %dma_start3A_352 = tpu.memref_slice %arg3[%dma_start3A_350, %dma_start3A_351] : memref<65024x4096xf32, #tpu.memory_space<hbm>> -> memref<65024x4096xf32, #tpu.memory_space<hbm>>
        tpu.enqueue_indirect_dma source(%dma_start3A_352 : memref<65024x4096xf32, #tpu.memory_space<hbm>>) target(%dma_start3A_346 : memref<4x4096xf32, #tpu.memory_space<vmem>>) offsets(%dma_start3A_349 : memref<4xi32, #tpu.memory_space<vmem>>) semaphore(%arg10 : memref<!tpu.dma_semaphore, #tpu.memory_space<semaphore_mem>>)
      } else {
      }
      %dma_wait3A_56 = arith.constant 0 : i32
      %dma_wait3A_57 = arith.constant 0 : i32
      %dma_wait3A_58 = arith.constant 0 : i32
      %dma_wait3A_59 = tpu.memref_slice %arg6[%dma_wait3A_56, %dma_wait3A_57, %dma_wait3A_58] : memref<4x4x4096xf32, #tpu.memory_space<vmem>> -> memref<1x4x4096xf32, #tpu.memory_space<vmem>>
      %dma_wait3A_60 = tpu.memref_squeeze %dma_wait3A_59 : memref<1x4x4096xf32, #tpu.memory_space<vmem>> -> memref<4x4096xf32, #tpu.memory_space<vmem>>
      %dma_wait3A_61 = arith.constant 0 : i32
      %dma_wait3A_62 = arith.constant 0 : i32
      %dma_wait3A_63 = tpu.memref_slice %arg3[%dma_wait3A_61, %dma_wait3A_62] : memref<65024x4096xf32, #tpu.memory_space<hbm>> -> memref<4x4096xf32, #tpu.memory_space<hbm>>
      %dma_wait3A_64 = arith.constant 0 : i32
      %dma_wait3A_65 = arith.constant 0 : i32
      %dma_wait3A_66 = tpu.memref_slice %arg6[%dma_wait3A_56, %dma_wait3A_64, %dma_wait3A_65] : memref<4x4x4096xf32, #tpu.memory_space<vmem>> -> memref<1x4x4096xf32, #tpu.memory_space<vmem>>
      %dma_wait3A_67 = tpu.memref_squeeze %dma_wait3A_66 : memref<1x4x4096xf32, #tpu.memory_space<vmem>> -> memref<4x4096xf32, #tpu.memory_space<vmem>>
      %dma_wait3A_68 = arith.constant 0 : i32
      %dma_wait3A_69 = arith.constant 0 : i32
      %dma_wait3A_70 = tpu.memref_slice %arg3[%dma_wait3A_68, %dma_wait3A_69] : memref<65024x4096xf32, #tpu.memory_space<hbm>> -> memref<4x4096xf32, #tpu.memory_space<hbm>>
      tpu.wait_dma2 semaphore(%arg8 : memref<!tpu.dma_semaphore, #tpu.memory_space<semaphore_mem>>) src(%dma_wait3A_70 : memref<4x4096xf32, #tpu.memory_space<hbm>>) dst(%dma_wait3A_67 : memref<4x4096xf32, #tpu.memory_space<vmem>>)
      %ge3A = arith.constant 2 : i32
      %ge3A_71 = arith.cmpi sge, %add3A_51, %ge3A : i32
      %convert_element_type3A_72 = arith.extui %ge3A_71 : i1 to i32
      %cond3A_73 = arith.constant 0 : i32
      %cond3A_74 = arith.cmpi ne, %convert_element_type3A_72, %cond3A_73 : i32
      scf.if %cond3A_74 {
        %dma_wait3A_340 = arith.constant 0 : i32
        %dma_wait3A_341 = arith.constant 0 : i32
        %dma_wait3A_342 = arith.constant 0 : i32
        %dma_wait3A_343 = tpu.memref_slice %arg4[%dma_wait3A_341, %dma_wait3A_342] : memref<8192x4096xf32, #tpu.memory_space<hbm>> -> memref<4x4096xf32, #tpu.memory_space<hbm>>
        %dma_wait3A_344 = arith.constant 0 : i32
        %dma_wait3A_345 = arith.constant 0 : i32
        %dma_wait3A_346 = tpu.memref_slice %arg7[%arg1, %dma_wait3A_340, %dma_wait3A_344, %dma_wait3A_345] : memref<16x2x4x4096xf32, #tpu.memory_space<vmem_shared>> -> memref<1x1x4x4096xf32, #tpu.memory_space<vmem_shared>>
        %dma_wait3A_347 = tpu.memref_squeeze %dma_wait3A_346 : memref<1x1x4x4096xf32, #tpu.memory_space<vmem_shared>> -> memref<4x4096xf32, #tpu.memory_space<vmem_shared>>
        tpu.wait_dma2 semaphore(%arg16 : memref<!tpu.dma_semaphore, #tpu.memory_space<semaphore_mem>>) src(%dma_wait3A_347 : memref<4x4096xf32, #tpu.memory_space<vmem_shared>>) dst(%dma_wait3A_343 : memref<4x4096xf32, #tpu.memory_space<hbm>>)
      } else {
      }
      %dma_start3A_75 = arith.constant 0 : i32
      %dma_start3A_76 = arith.constant 0 : i32
      %dma_start3A_77 = arith.constant 0 : i32
      %dma_start3A_78 = arith.constant 0 : i32
      %dma_start3A_79 = tpu.memref_slice %arg6[%dma_start3A_75, %dma_start3A_77, %dma_start3A_78] : memref<4x4x4096xf32, #tpu.memory_space<vmem>> -> memref<1x4x4096xf32, #tpu.memory_space<vmem>>
      %dma_start3A_80 = tpu.memref_squeeze %dma_start3A_79 : memref<1x4x4096xf32, #tpu.memory_space<vmem>> -> memref<4x4096xf32, #tpu.memory_space<vmem>>
      %dma_start3A_81 = arith.constant 0 : i32
      %dma_start3A_82 = arith.constant 0 : i32
      %dma_start3A_83 = tpu.memref_slice %arg7[%arg1, %dma_start3A_76, %dma_start3A_81, %dma_start3A_82] : memref<16x2x4x4096xf32, #tpu.memory_space<vmem_shared>> -> memref<1x1x4x4096xf32, #tpu.memory_space<vmem_shared>>
      %dma_start3A_84 = tpu.memref_squeeze %dma_start3A_83 : memref<1x1x4x4096xf32, #tpu.memory_space<vmem_shared>> -> memref<4x4096xf32, #tpu.memory_space<vmem_shared>>
      %dma_start3A_85 = arith.constant 0 : i32
      %dma_start3A_86 = arith.constant 0 : i32
      %dma_start3A_87 = tpu.memref_slice %arg7[%arg1, %dma_start3A_76, %dma_start3A_85, %dma_start3A_86] : memref<16x2x4x4096xf32, #tpu.memory_space<vmem_shared>> -> memref<1x1x4x4096xf32, #tpu.memory_space<vmem_shared>>
      %dma_start3A_88 = tpu.memref_squeeze %dma_start3A_87 : memref<1x1x4x4096xf32, #tpu.memory_space<vmem_shared>> -> memref<4x4096xf32, #tpu.memory_space<vmem_shared>>
      %dma_start3A_89 = arith.constant 0 : i32
      %dma_start3A_90 = arith.constant 0 : i32
      %dma_start3A_91 = tpu.memref_slice %arg6[%dma_start3A_75, %dma_start3A_89, %dma_start3A_90] : memref<4x4x4096xf32, #tpu.memory_space<vmem>> -> memref<1x4x4096xf32, #tpu.memory_space<vmem>>
      %dma_start3A_92 = tpu.memref_squeeze %dma_start3A_91 : memref<1x4x4096xf32, #tpu.memory_space<vmem>> -> memref<4x4096xf32, #tpu.memory_space<vmem>>
      tpu.enqueue_dma source(%dma_start3A_92 : memref<4x4096xf32, #tpu.memory_space<vmem>>) target(%dma_start3A_88 : memref<4x4096xf32, #tpu.memory_space<vmem_shared>>) target_semaphore(%arg12 : memref<!tpu.dma_semaphore, #tpu.memory_space<semaphore_mem>>)
      %dma_wait3A_93 = arith.constant 0 : i32
      %dma_wait3A_94 = arith.constant 0 : i32
      %dma_wait3A_95 = arith.constant 0 : i32
      %dma_wait3A_96 = tpu.memref_slice %arg6[%dma_wait3A_93, %dma_wait3A_94, %dma_wait3A_95] : memref<4x4x4096xf32, #tpu.memory_space<vmem>> -> memref<1x4x4096xf32, #tpu.memory_space<vmem>>
      %dma_wait3A_97 = tpu.memref_squeeze %dma_wait3A_96 : memref<1x4x4096xf32, #tpu.memory_space<vmem>> -> memref<4x4096xf32, #tpu.memory_space<vmem>>
      %dma_wait3A_98 = arith.constant 0 : i32
      %dma_wait3A_99 = arith.constant 0 : i32
      %dma_wait3A_100 = tpu.memref_slice %arg3[%dma_wait3A_98, %dma_wait3A_99] : memref<65024x4096xf32, #tpu.memory_space<hbm>> -> memref<4x4096xf32, #tpu.memory_space<hbm>>
      %dma_wait3A_101 = arith.constant 0 : i32
      %dma_wait3A_102 = arith.constant 0 : i32
      %dma_wait3A_103 = tpu.memref_slice %arg6[%dma_wait3A_93, %dma_wait3A_101, %dma_wait3A_102] : memref<4x4x4096xf32, #tpu.memory_space<vmem>> -> memref<1x4x4096xf32, #tpu.memory_space<vmem>>
      %dma_wait3A_104 = tpu.memref_squeeze %dma_wait3A_103 : memref<1x4x4096xf32, #tpu.memory_space<vmem>> -> memref<4x4096xf32, #tpu.memory_space<vmem>>
      %dma_wait3A_105 = arith.constant 0 : i32
      %dma_wait3A_106 = arith.constant 0 : i32
      %dma_wait3A_107 = tpu.memref_slice %arg3[%dma_wait3A_105, %dma_wait3A_106] : memref<65024x4096xf32, #tpu.memory_space<hbm>> -> memref<4x4096xf32, #tpu.memory_space<hbm>>
      tpu.wait_dma2 semaphore(%arg12 : memref<!tpu.dma_semaphore, #tpu.memory_space<semaphore_mem>>) src(%dma_wait3A_107 : memref<4x4096xf32, #tpu.memory_space<hbm>>) dst(%dma_wait3A_104 : memref<4x4096xf32, #tpu.memory_space<vmem>>)
      %mul3A_108 = arith.constant 4 : i32
      %mul3A_109 = arith.muli %add3A_51, %mul3A_108 : i32
      %add3A_110 = arith.addi %mul3A_2, %mul3A_109 : i32
      %dma_start3A_111 = arith.constant 0 : i32
      %dma_start3A_112 = arith.constant 0 : i32
      %dma_start3A_113 = tpu.memref_slice %arg4[%add3A_110, %dma_start3A_112] : memref<8192x4096xf32, #tpu.memory_space<hbm>> -> memref<4x4096xf32, #tpu.memory_space<hbm>>
      %dma_start3A_114 = arith.constant 0 : i32
      %dma_start3A_115 = arith.constant 0 : i32
      %dma_start3A_116 = tpu.memref_slice %arg7[%arg1, %dma_start3A_111, %dma_start3A_114, %dma_start3A_115] : memref<16x2x4x4096xf32, #tpu.memory_space<vmem_shared>> -> memref<1x1x4x4096xf32, #tpu.memory_space<vmem_shared>>
      %dma_start3A_117 = tpu.memref_squeeze %dma_start3A_116 : memref<1x1x4x4096xf32, #tpu.memory_space<vmem_shared>> -> memref<4x4096xf32, #tpu.memory_space<vmem_shared>>
      tpu.enqueue_dma source(%dma_start3A_117 : memref<4x4096xf32, #tpu.memory_space<vmem_shared>>) target(%dma_start3A_113 : memref<4x4096xf32, #tpu.memory_space<hbm>>) target_semaphore(%arg16 : memref<!tpu.dma_semaphore, #tpu.memory_space<semaphore_mem>>)
      %mul3A_118 = arith.constant 4 : i32
      %mul3A_119 = arith.muli %mul3A_118, %scan3A_47 : i32
      %add3A_120 = arith.constant 1 : i32
      %add3A_121 = arith.addi %mul3A_119, %add3A_120 : i32
      %add3A_122 = arith.constant 2 : i32
      %add3A_123 = arith.addi %add3A_121, %add3A_122 : i32
      %lt3A_124 = arith.constant 64 : i32
      %lt3A_125 = arith.cmpi slt, %add3A_123, %lt3A_124 : i32
      %convert_element_type3A_126 = arith.extui %lt3A_125 : i1 to i32
      %cond3A_127 = arith.constant 0 : i32
      %cond3A_128 = arith.cmpi ne, %convert_element_type3A_126, %cond3A_127 : i32
      scf.if %cond3A_128 {
        %add3A_340 = arith.constant 2 : i32
        %add3A_341 = arith.addi %add3A_121, %add3A_340 : i32
        %dma_start3A_342 = arith.constant 3 : i32
        %dma_start3A_343 = arith.constant 0 : i32
        %dma_start3A_344 = arith.constant 0 : i32
        %dma_start3A_345 = tpu.memref_slice %arg6[%dma_start3A_342, %dma_start3A_343, %dma_start3A_344] : memref<4x4x4096xf32, #tpu.memory_space<vmem>> -> memref<1x4x4096xf32, #tpu.memory_space<vmem>>
        %dma_start3A_346 = tpu.memref_squeeze %dma_start3A_345 : memref<1x4x4096xf32, #tpu.memory_space<vmem>> -> memref<4x4096xf32, #tpu.memory_space<vmem>>
        %dma_start3A_347 = arith.constant 0 : i32
        %dma_start3A_348 = tpu.memref_slice %arg5[%add3A_341, %dma_start3A_347] : memref<64x4xi32, #tpu.memory_space<vmem>> -> memref<1x4xi32, #tpu.memory_space<vmem>>
        %dma_start3A_349 = tpu.memref_squeeze %dma_start3A_348 : memref<1x4xi32, #tpu.memory_space<vmem>> -> memref<4xi32, #tpu.memory_space<vmem>>
        %dma_start3A_350 = arith.constant 0 : i32
        %dma_start3A_351 = arith.constant 0 : i32
        %dma_start3A_352 = tpu.memref_slice %arg3[%dma_start3A_350, %dma_start3A_351] : memref<65024x4096xf32, #tpu.memory_space<hbm>> -> memref<65024x4096xf32, #tpu.memory_space<hbm>>
        tpu.enqueue_indirect_dma source(%dma_start3A_352 : memref<65024x4096xf32, #tpu.memory_space<hbm>>) target(%dma_start3A_346 : memref<4x4096xf32, #tpu.memory_space<vmem>>) offsets(%dma_start3A_349 : memref<4xi32, #tpu.memory_space<vmem>>) semaphore(%arg11 : memref<!tpu.dma_semaphore, #tpu.memory_space<semaphore_mem>>)
      } else {
      }
      %dma_wait3A_129 = arith.constant 1 : i32
      %dma_wait3A_130 = arith.constant 0 : i32
      %dma_wait3A_131 = arith.constant 0 : i32
      %dma_wait3A_132 = tpu.memref_slice %arg6[%dma_wait3A_129, %dma_wait3A_130, %dma_wait3A_131] : memref<4x4x4096xf32, #tpu.memory_space<vmem>> -> memref<1x4x4096xf32, #tpu.memory_space<vmem>>
      %dma_wait3A_133 = tpu.memref_squeeze %dma_wait3A_132 : memref<1x4x4096xf32, #tpu.memory_space<vmem>> -> memref<4x4096xf32, #tpu.memory_space<vmem>>
      %dma_wait3A_134 = arith.constant 0 : i32
      %dma_wait3A_135 = arith.constant 0 : i32
      %dma_wait3A_136 = tpu.memref_slice %arg3[%dma_wait3A_134, %dma_wait3A_135] : memref<65024x4096xf32, #tpu.memory_space<hbm>> -> memref<4x4096xf32, #tpu.memory_space<hbm>>
      %dma_wait3A_137 = arith.constant 0 : i32
      %dma_wait3A_138 = arith.constant 0 : i32
      %dma_wait3A_139 = tpu.memref_slice %arg6[%dma_wait3A_129, %dma_wait3A_137, %dma_wait3A_138] : memref<4x4x4096xf32, #tpu.memory_space<vmem>> -> memref<1x4x4096xf32, #tpu.memory_space<vmem>>
      %dma_wait3A_140 = tpu.memref_squeeze %dma_wait3A_139 : memref<1x4x4096xf32, #tpu.memory_space<vmem>> -> memref<4x4096xf32, #tpu.memory_space<vmem>>
      %dma_wait3A_141 = arith.constant 0 : i32
      %dma_wait3A_142 = arith.constant 0 : i32
      %dma_wait3A_143 = tpu.memref_slice %arg3[%dma_wait3A_141, %dma_wait3A_142] : memref<65024x4096xf32, #tpu.memory_space<hbm>> -> memref<4x4096xf32, #tpu.memory_space<hbm>>
      tpu.wait_dma2 semaphore(%arg9 : memref<!tpu.dma_semaphore, #tpu.memory_space<semaphore_mem>>) src(%dma_wait3A_143 : memref<4x4096xf32, #tpu.memory_space<hbm>>) dst(%dma_wait3A_140 : memref<4x4096xf32, #tpu.memory_space<vmem>>)
      %ge3A_144 = arith.constant 2 : i32
      %ge3A_145 = arith.cmpi sge, %add3A_121, %ge3A_144 : i32
      %convert_element_type3A_146 = arith.extui %ge3A_145 : i1 to i32
      %cond3A_147 = arith.constant 0 : i32
      %cond3A_148 = arith.cmpi ne, %convert_element_type3A_146, %cond3A_147 : i32
      scf.if %cond3A_148 {
        %dma_wait3A_340 = arith.constant 1 : i32
        %dma_wait3A_341 = arith.constant 0 : i32
        %dma_wait3A_342 = arith.constant 0 : i32
        %dma_wait3A_343 = tpu.memref_slice %arg4[%dma_wait3A_341, %dma_wait3A_342] : memref<8192x4096xf32, #tpu.memory_space<hbm>> -> memref<4x4096xf32, #tpu.memory_space<hbm>>
        %dma_wait3A_344 = arith.constant 0 : i32
        %dma_wait3A_345 = arith.constant 0 : i32
        %dma_wait3A_346 = tpu.memref_slice %arg7[%arg1, %dma_wait3A_340, %dma_wait3A_344, %dma_wait3A_345] : memref<16x2x4x4096xf32, #tpu.memory_space<vmem_shared>> -> memref<1x1x4x4096xf32, #tpu.memory_space<vmem_shared>>
        %dma_wait3A_347 = tpu.memref_squeeze %dma_wait3A_346 : memref<1x1x4x4096xf32, #tpu.memory_space<vmem_shared>> -> memref<4x4096xf32, #tpu.memory_space<vmem_shared>>
        tpu.wait_dma2 semaphore(%arg17 : memref<!tpu.dma_semaphore, #tpu.memory_space<semaphore_mem>>) src(%dma_wait3A_347 : memref<4x4096xf32, #tpu.memory_space<vmem_shared>>) dst(%dma_wait3A_343 : memref<4x4096xf32, #tpu.memory_space<hbm>>)
      } else {
      }
      %dma_start3A_149 = arith.constant 1 : i32
      %dma_start3A_150 = arith.constant 1 : i32
      %dma_start3A_151 = arith.constant 0 : i32
      %dma_start3A_152 = arith.constant 0 : i32
      %dma_start3A_153 = tpu.memref_slice %arg6[%dma_start3A_149, %dma_start3A_151, %dma_start3A_152] : memref<4x4x4096xf32, #tpu.memory_space<vmem>> -> memref<1x4x4096xf32, #tpu.memory_space<vmem>>
      %dma_start3A_154 = tpu.memref_squeeze %dma_start3A_153 : memref<1x4x4096xf32, #tpu.memory_space<vmem>> -> memref<4x4096xf32, #tpu.memory_space<vmem>>
      %dma_start3A_155 = arith.constant 0 : i32
      %dma_start3A_156 = arith.constant 0 : i32
      %dma_start3A_157 = tpu.memref_slice %arg7[%arg1, %dma_start3A_150, %dma_start3A_155, %dma_start3A_156] : memref<16x2x4x4096xf32, #tpu.memory_space<vmem_shared>> -> memref<1x1x4x4096xf32, #tpu.memory_space<vmem_shared>>
      %dma_start3A_158 = tpu.memref_squeeze %dma_start3A_157 : memref<1x1x4x4096xf32, #tpu.memory_space<vmem_shared>> -> memref<4x4096xf32, #tpu.memory_space<vmem_shared>>
      %dma_start3A_159 = arith.constant 0 : i32
      %dma_start3A_160 = arith.constant 0 : i32
      %dma_start3A_161 = tpu.memref_slice %arg7[%arg1, %dma_start3A_150, %dma_start3A_159, %dma_start3A_160] : memref<16x2x4x4096xf32, #tpu.memory_space<vmem_shared>> -> memref<1x1x4x4096xf32, #tpu.memory_space<vmem_shared>>
      %dma_start3A_162 = tpu.memref_squeeze %dma_start3A_161 : memref<1x1x4x4096xf32, #tpu.memory_space<vmem_shared>> -> memref<4x4096xf32, #tpu.memory_space<vmem_shared>>
      %dma_start3A_163 = arith.constant 0 : i32
      %dma_start3A_164 = arith.constant 0 : i32
      %dma_start3A_165 = tpu.memref_slice %arg6[%dma_start3A_149, %dma_start3A_163, %dma_start3A_164] : memref<4x4x4096xf32, #tpu.memory_space<vmem>> -> memref<1x4x4096xf32, #tpu.memory_space<vmem>>
      %dma_start3A_166 = tpu.memref_squeeze %dma_start3A_165 : memref<1x4x4096xf32, #tpu.memory_space<vmem>> -> memref<4x4096xf32, #tpu.memory_space<vmem>>
      tpu.enqueue_dma source(%dma_start3A_166 : memref<4x4096xf32, #tpu.memory_space<vmem>>) target(%dma_start3A_162 : memref<4x4096xf32, #tpu.memory_space<vmem_shared>>) target_semaphore(%arg13 : memref<!tpu.dma_semaphore, #tpu.memory_space<semaphore_mem>>)
      %dma_wait3A_167 = arith.constant 1 : i32
      %dma_wait3A_168 = arith.constant 0 : i32
      %dma_wait3A_169 = arith.constant 0 : i32
      %dma_wait3A_170 = tpu.memref_slice %arg6[%dma_wait3A_167, %dma_wait3A_168, %dma_wait3A_169] : memref<4x4x4096xf32, #tpu.memory_space<vmem>> -> memref<1x4x4096xf32, #tpu.memory_space<vmem>>
      %dma_wait3A_171 = tpu.memref_squeeze %dma_wait3A_170 : memref<1x4x4096xf32, #tpu.memory_space<vmem>> -> memref<4x4096xf32, #tpu.memory_space<vmem>>
      %dma_wait3A_172 = arith.constant 0 : i32
      %dma_wait3A_173 = arith.constant 0 : i32
      %dma_wait3A_174 = tpu.memref_slice %arg3[%dma_wait3A_172, %dma_wait3A_173] : memref<65024x4096xf32, #tpu.memory_space<hbm>> -> memref<4x4096xf32, #tpu.memory_space<hbm>>
      %dma_wait3A_175 = arith.constant 0 : i32
      %dma_wait3A_176 = arith.constant 0 : i32
      %dma_wait3A_177 = tpu.memref_slice %arg6[%dma_wait3A_167, %dma_wait3A_175, %dma_wait3A_176] : memref<4x4x4096xf32, #tpu.memory_space<vmem>> -> memref<1x4x4096xf32, #tpu.memory_space<vmem>>
      %dma_wait3A_178 = tpu.memref_squeeze %dma_wait3A_177 : memref<1x4x4096xf32, #tpu.memory_space<vmem>> -> memref<4x4096xf32, #tpu.memory_space<vmem>>
      %dma_wait3A_179 = arith.constant 0 : i32
      %dma_wait3A_180 = arith.constant 0 : i32
      %dma_wait3A_181 = tpu.memref_slice %arg3[%dma_wait3A_179, %dma_wait3A_180] : memref<65024x4096xf32, #tpu.memory_space<hbm>> -> memref<4x4096xf32, #tpu.memory_space<hbm>>
      tpu.wait_dma2 semaphore(%arg13 : memref<!tpu.dma_semaphore, #tpu.memory_space<semaphore_mem>>) src(%dma_wait3A_181 : memref<4x4096xf32, #tpu.memory_space<hbm>>) dst(%dma_wait3A_178 : memref<4x4096xf32, #tpu.memory_space<vmem>>)
      %mul3A_182 = arith.constant 4 : i32
      %mul3A_183 = arith.muli %add3A_121, %mul3A_182 : i32
      %add3A_184 = arith.addi %mul3A_2, %mul3A_183 : i32
      %dma_start3A_185 = arith.constant 1 : i32
      %dma_start3A_186 = arith.constant 0 : i32
      %dma_start3A_187 = tpu.memref_slice %arg4[%add3A_184, %dma_start3A_186] : memref<8192x4096xf32, #tpu.memory_space<hbm>> -> memref<4x4096xf32, #tpu.memory_space<hbm>>
      %dma_start3A_188 = arith.constant 0 : i32
      %dma_start3A_189 = arith.constant 0 : i32
      %dma_start3A_190 = tpu.memref_slice %arg7[%arg1, %dma_start3A_185, %dma_start3A_188, %dma_start3A_189] : memref<16x2x4x4096xf32, #tpu.memory_space<vmem_shared>> -> memref<1x1x4x4096xf32, #tpu.memory_space<vmem_shared>>
      %dma_start3A_191 = tpu.memref_squeeze %dma_start3A_190 : memref<1x1x4x4096xf32, #tpu.memory_space<vmem_shared>> -> memref<4x4096xf32, #tpu.memory_space<vmem_shared>>
      tpu.enqueue_dma source(%dma_start3A_191 : memref<4x4096xf32, #tpu.memory_space<vmem_shared>>) target(%dma_start3A_187 : memref<4x4096xf32, #tpu.memory_space<hbm>>) target_semaphore(%arg17 : memref<!tpu.dma_semaphore, #tpu.memory_space<semaphore_mem>>)
      %mul3A_192 = arith.constant 4 : i32
      %mul3A_193 = arith.muli %mul3A_192, %scan3A_47 : i32
      %add3A_194 = arith.constant 2 : i32
      %add3A_195 = arith.addi %mul3A_193, %add3A_194 : i32
      %add3A_196 = arith.constant 2 : i32
      %add3A_197 = arith.addi %add3A_195, %add3A_196 : i32
      %lt3A_198 = arith.constant 64 : i32
      %lt3A_199 = arith.cmpi slt, %add3A_197, %lt3A_198 : i32
      %convert_element_type3A_200 = arith.extui %lt3A_199 : i1 to i32
      %cond3A_201 = arith.constant 0 : i32
      %cond3A_202 = arith.cmpi ne, %convert_element_type3A_200, %cond3A_201 : i32
      scf.if %cond3A_202 {
        %add3A_340 = arith.constant 2 : i32
        %add3A_341 = arith.addi %add3A_195, %add3A_340 : i32
        %dma_start3A_342 = arith.constant 0 : i32
        %dma_start3A_343 = arith.constant 0 : i32
        %dma_start3A_344 = arith.constant 0 : i32
        %dma_start3A_345 = tpu.memref_slice %arg6[%dma_start3A_342, %dma_start3A_343, %dma_start3A_344] : memref<4x4x4096xf32, #tpu.memory_space<vmem>> -> memref<1x4x4096xf32, #tpu.memory_space<vmem>>
        %dma_start3A_346 = tpu.memref_squeeze %dma_start3A_345 : memref<1x4x4096xf32, #tpu.memory_space<vmem>> -> memref<4x4096xf32, #tpu.memory_space<vmem>>
        %dma_start3A_347 = arith.constant 0 : i32
        %dma_start3A_348 = tpu.memref_slice %arg5[%add3A_341, %dma_start3A_347] : memref<64x4xi32, #tpu.memory_space<vmem>> -> memref<1x4xi32, #tpu.memory_space<vmem>>
        %dma_start3A_349 = tpu.memref_squeeze %dma_start3A_348 : memref<1x4xi32, #tpu.memory_space<vmem>> -> memref<4xi32, #tpu.memory_space<vmem>>
        %dma_start3A_350 = arith.constant 0 : i32
        %dma_start3A_351 = arith.constant 0 : i32
        %dma_start3A_352 = tpu.memref_slice %arg3[%dma_start3A_350, %dma_start3A_351] : memref<65024x4096xf32, #tpu.memory_space<hbm>> -> memref<65024x4096xf32, #tpu.memory_space<hbm>>
        tpu.enqueue_indirect_dma source(%dma_start3A_352 : memref<65024x4096xf32, #tpu.memory_space<hbm>>) target(%dma_start3A_346 : memref<4x4096xf32, #tpu.memory_space<vmem>>) offsets(%dma_start3A_349 : memref<4xi32, #tpu.memory_space<vmem>>) semaphore(%arg8 : memref<!tpu.dma_semaphore, #tpu.memory_space<semaphore_mem>>)
      } else {
      }
      %dma_wait3A_203 = arith.constant 2 : i32
      %dma_wait3A_204 = arith.constant 0 : i32
      %dma_wait3A_205 = arith.constant 0 : i32
      %dma_wait3A_206 = tpu.memref_slice %arg6[%dma_wait3A_203, %dma_wait3A_204, %dma_wait3A_205] : memref<4x4x4096xf32, #tpu.memory_space<vmem>> -> memref<1x4x4096xf32, #tpu.memory_space<vmem>>
      %dma_wait3A_207 = tpu.memref_squeeze %dma_wait3A_206 : memref<1x4x4096xf32, #tpu.memory_space<vmem>> -> memref<4x4096xf32, #tpu.memory_space<vmem>>
      %dma_wait3A_208 = arith.constant 0 : i32
      %dma_wait3A_209 = arith.constant 0 : i32
      %dma_wait3A_210 = tpu.memref_slice %arg3[%dma_wait3A_208, %dma_wait3A_209] : memref<65024x4096xf32, #tpu.memory_space<hbm>> -> memref<4x4096xf32, #tpu.memory_space<hbm>>
      %dma_wait3A_211 = arith.constant 0 : i32
      %dma_wait3A_212 = arith.constant 0 : i32
      %dma_wait3A_213 = tpu.memref_slice %arg6[%dma_wait3A_203, %dma_wait3A_211, %dma_wait3A_212] : memref<4x4x4096xf32, #tpu.memory_space<vmem>> -> memref<1x4x4096xf32, #tpu.memory_space<vmem>>
      %dma_wait3A_214 = tpu.memref_squeeze %dma_wait3A_213 : memref<1x4x4096xf32, #tpu.memory_space<vmem>> -> memref<4x4096xf32, #tpu.memory_space<vmem>>
      %dma_wait3A_215 = arith.constant 0 : i32
      %dma_wait3A_216 = arith.constant 0 : i32
      %dma_wait3A_217 = tpu.memref_slice %arg3[%dma_wait3A_215, %dma_wait3A_216] : memref<65024x4096xf32, #tpu.memory_space<hbm>> -> memref<4x4096xf32, #tpu.memory_space<hbm>>
      tpu.wait_dma2 semaphore(%arg10 : memref<!tpu.dma_semaphore, #tpu.memory_space<semaphore_mem>>) src(%dma_wait3A_217 : memref<4x4096xf32, #tpu.memory_space<hbm>>) dst(%dma_wait3A_214 : memref<4x4096xf32, #tpu.memory_space<vmem>>)
      %ge3A_218 = arith.constant 2 : i32
      %ge3A_219 = arith.cmpi sge, %add3A_195, %ge3A_218 : i32
      %convert_element_type3A_220 = arith.extui %ge3A_219 : i1 to i32
      %cond3A_221 = arith.constant 0 : i32
      %cond3A_222 = arith.cmpi ne, %convert_element_type3A_220, %cond3A_221 : i32
      scf.if %cond3A_222 {
        %dma_wait3A_340 = arith.constant 0 : i32
        %dma_wait3A_341 = arith.constant 0 : i32
        %dma_wait3A_342 = arith.constant 0 : i32
        %dma_wait3A_343 = tpu.memref_slice %arg4[%dma_wait3A_341, %dma_wait3A_342] : memref<8192x4096xf32, #tpu.memory_space<hbm>> -> memref<4x4096xf32, #tpu.memory_space<hbm>>
        %dma_wait3A_344 = arith.constant 0 : i32
        %dma_wait3A_345 = arith.constant 0 : i32
        %dma_wait3A_346 = tpu.memref_slice %arg7[%arg1, %dma_wait3A_340, %dma_wait3A_344, %dma_wait3A_345] : memref<16x2x4x4096xf32, #tpu.memory_space<vmem_shared>> -> memref<1x1x4x4096xf32, #tpu.memory_space<vmem_shared>>
        %dma_wait3A_347 = tpu.memref_squeeze %dma_wait3A_346 : memref<1x1x4x4096xf32, #tpu.memory_space<vmem_shared>> -> memref<4x4096xf32, #tpu.memory_space<vmem_shared>>
        tpu.wait_dma2 semaphore(%arg16 : memref<!tpu.dma_semaphore, #tpu.memory_space<semaphore_mem>>) src(%dma_wait3A_347 : memref<4x4096xf32, #tpu.memory_space<vmem_shared>>) dst(%dma_wait3A_343 : memref<4x4096xf32, #tpu.memory_space<hbm>>)
      } else {
      }
      %dma_start3A_223 = arith.constant 2 : i32
      %dma_start3A_224 = arith.constant 0 : i32
      %dma_start3A_225 = arith.constant 0 : i32
      %dma_start3A_226 = arith.constant 0 : i32
      %dma_start3A_227 = tpu.memref_slice %arg6[%dma_start3A_223, %dma_start3A_225, %dma_start3A_226] : memref<4x4x4096xf32, #tpu.memory_space<vmem>> -> memref<1x4x4096xf32, #tpu.memory_space<vmem>>
      %dma_start3A_228 = tpu.memref_squeeze %dma_start3A_227 : memref<1x4x4096xf32, #tpu.memory_space<vmem>> -> memref<4x4096xf32, #tpu.memory_space<vmem>>
      %dma_start3A_229 = arith.constant 0 : i32
      %dma_start3A_230 = arith.constant 0 : i32
      %dma_start3A_231 = tpu.memref_slice %arg7[%arg1, %dma_start3A_224, %dma_start3A_229, %dma_start3A_230] : memref<16x2x4x4096xf32, #tpu.memory_space<vmem_shared>> -> memref<1x1x4x4096xf32, #tpu.memory_space<vmem_shared>>
      %dma_start3A_232 = tpu.memref_squeeze %dma_start3A_231 : memref<1x1x4x4096xf32, #tpu.memory_space<vmem_shared>> -> memref<4x4096xf32, #tpu.memory_space<vmem_shared>>
      %dma_start3A_233 = arith.constant 0 : i32
      %dma_start3A_234 = arith.constant 0 : i32
      %dma_start3A_235 = tpu.memref_slice %arg7[%arg1, %dma_start3A_224, %dma_start3A_233, %dma_start3A_234] : memref<16x2x4x4096xf32, #tpu.memory_space<vmem_shared>> -> memref<1x1x4x4096xf32, #tpu.memory_space<vmem_shared>>
      %dma_start3A_236 = tpu.memref_squeeze %dma_start3A_235 : memref<1x1x4x4096xf32, #tpu.memory_space<vmem_shared>> -> memref<4x4096xf32, #tpu.memory_space<vmem_shared>>
      %dma_start3A_237 = arith.constant 0 : i32
      %dma_start3A_238 = arith.constant 0 : i32
      %dma_start3A_239 = tpu.memref_slice %arg6[%dma_start3A_223, %dma_start3A_237, %dma_start3A_238] : memref<4x4x4096xf32, #tpu.memory_space<vmem>> -> memref<1x4x4096xf32, #tpu.memory_space<vmem>>
      %dma_start3A_240 = tpu.memref_squeeze %dma_start3A_239 : memref<1x4x4096xf32, #tpu.memory_space<vmem>> -> memref<4x4096xf32, #tpu.memory_space<vmem>>
      tpu.enqueue_dma source(%dma_start3A_240 : memref<4x4096xf32, #tpu.memory_space<vmem>>) target(%dma_start3A_236 : memref<4x4096xf32, #tpu.memory_space<vmem_shared>>) target_semaphore(%arg14 : memref<!tpu.dma_semaphore, #tpu.memory_space<semaphore_mem>>)
      %dma_wait3A_241 = arith.constant 2 : i32
      %dma_wait3A_242 = arith.constant 0 : i32
      %dma_wait3A_243 = arith.constant 0 : i32
      %dma_wait3A_244 = tpu.memref_slice %arg6[%dma_wait3A_241, %dma_wait3A_242, %dma_wait3A_243] : memref<4x4x4096xf32, #tpu.memory_space<vmem>> -> memref<1x4x4096xf32, #tpu.memory_space<vmem>>
      %dma_wait3A_245 = tpu.memref_squeeze %dma_wait3A_244 : memref<1x4x4096xf32, #tpu.memory_space<vmem>> -> memref<4x4096xf32, #tpu.memory_space<vmem>>
      %dma_wait3A_246 = arith.constant 0 : i32
      %dma_wait3A_247 = arith.constant 0 : i32
      %dma_wait3A_248 = tpu.memref_slice %arg3[%dma_wait3A_246, %dma_wait3A_247] : memref<65024x4096xf32, #tpu.memory_space<hbm>> -> memref<4x4096xf32, #tpu.memory_space<hbm>>
      %dma_wait3A_249 = arith.constant 0 : i32
      %dma_wait3A_250 = arith.constant 0 : i32
      %dma_wait3A_251 = tpu.memref_slice %arg6[%dma_wait3A_241, %dma_wait3A_249, %dma_wait3A_250] : memref<4x4x4096xf32, #tpu.memory_space<vmem>> -> memref<1x4x4096xf32, #tpu.memory_space<vmem>>
      %dma_wait3A_252 = tpu.memref_squeeze %dma_wait3A_251 : memref<1x4x4096xf32, #tpu.memory_space<vmem>> -> memref<4x4096xf32, #tpu.memory_space<vmem>>
      %dma_wait3A_253 = arith.constant 0 : i32
      %dma_wait3A_254 = arith.constant 0 : i32
      %dma_wait3A_255 = tpu.memref_slice %arg3[%dma_wait3A_253, %dma_wait3A_254] : memref<65024x4096xf32, #tpu.memory_space<hbm>> -> memref<4x4096xf32, #tpu.memory_space<hbm>>
      tpu.wait_dma2 semaphore(%arg14 : memref<!tpu.dma_semaphore, #tpu.memory_space<semaphore_mem>>) src(%dma_wait3A_255 : memref<4x4096xf32, #tpu.memory_space<hbm>>) dst(%dma_wait3A_252 : memref<4x4096xf32, #tpu.memory_space<vmem>>)
      %mul3A_256 = arith.constant 4 : i32
      %mul3A_257 = arith.muli %add3A_195, %mul3A_256 : i32
      %add3A_258 = arith.addi %mul3A_2, %mul3A_257 : i32
      %dma_start3A_259 = arith.constant 0 : i32
      %dma_start3A_260 = arith.constant 0 : i32
      %dma_start3A_261 = tpu.memref_slice %arg4[%add3A_258, %dma_start3A_260] : memref<8192x4096xf32, #tpu.memory_space<hbm>> -> memref<4x4096xf32, #tpu.memory_space<hbm>>
      %dma_start3A_262 = arith.constant 0 : i32
      %dma_start3A_263 = arith.constant 0 : i32
      %dma_start3A_264 = tpu.memref_slice %arg7[%arg1, %dma_start3A_259, %dma_start3A_262, %dma_start3A_263] : memref<16x2x4x4096xf32, #tpu.memory_space<vmem_shared>> -> memref<1x1x4x4096xf32, #tpu.memory_space<vmem_shared>>
      %dma_start3A_265 = tpu.memref_squeeze %dma_start3A_264 : memref<1x1x4x4096xf32, #tpu.memory_space<vmem_shared>> -> memref<4x4096xf32, #tpu.memory_space<vmem_shared>>
      tpu.enqueue_dma source(%dma_start3A_265 : memref<4x4096xf32, #tpu.memory_space<vmem_shared>>) target(%dma_start3A_261 : memref<4x4096xf32, #tpu.memory_space<hbm>>) target_semaphore(%arg16 : memref<!tpu.dma_semaphore, #tpu.memory_space<semaphore_mem>>)
      %mul3A_266 = arith.constant 4 : i32
      %mul3A_267 = arith.muli %mul3A_266, %scan3A_47 : i32
      %add3A_268 = arith.constant 3 : i32
      %add3A_269 = arith.addi %mul3A_267, %add3A_268 : i32
      %add3A_270 = arith.constant 2 : i32
      %add3A_271 = arith.addi %add3A_269, %add3A_270 : i32
      %lt3A_272 = arith.constant 64 : i32
      %lt3A_273 = arith.cmpi slt, %add3A_271, %lt3A_272 : i32
      %convert_element_type3A_274 = arith.extui %lt3A_273 : i1 to i32
      %cond3A_275 = arith.constant 0 : i32
      %cond3A_276 = arith.cmpi ne, %convert_element_type3A_274, %cond3A_275 : i32
      scf.if %cond3A_276 {
        %add3A_340 = arith.constant 2 : i32
        %add3A_341 = arith.addi %add3A_269, %add3A_340 : i32
        %dma_start3A_342 = arith.constant 1 : i32
        %dma_start3A_343 = arith.constant 0 : i32
        %dma_start3A_344 = arith.constant 0 : i32
        %dma_start3A_345 = tpu.memref_slice %arg6[%dma_start3A_342, %dma_start3A_343, %dma_start3A_344] : memref<4x4x4096xf32, #tpu.memory_space<vmem>> -> memref<1x4x4096xf32, #tpu.memory_space<vmem>>
        %dma_start3A_346 = tpu.memref_squeeze %dma_start3A_345 : memref<1x4x4096xf32, #tpu.memory_space<vmem>> -> memref<4x4096xf32, #tpu.memory_space<vmem>>
        %dma_start3A_347 = arith.constant 0 : i32
        %dma_start3A_348 = tpu.memref_slice %arg5[%add3A_341, %dma_start3A_347] : memref<64x4xi32, #tpu.memory_space<vmem>> -> memref<1x4xi32, #tpu.memory_space<vmem>>
        %dma_start3A_349 = tpu.memref_squeeze %dma_start3A_348 : memref<1x4xi32, #tpu.memory_space<vmem>> -> memref<4xi32, #tpu.memory_space<vmem>>
        %dma_start3A_350 = arith.constant 0 : i32
        %dma_start3A_351 = arith.constant 0 : i32
        %dma_start3A_352 = tpu.memref_slice %arg3[%dma_start3A_350, %dma_start3A_351] : memref<65024x4096xf32, #tpu.memory_space<hbm>> -> memref<65024x4096xf32, #tpu.memory_space<hbm>>
        tpu.enqueue_indirect_dma source(%dma_start3A_352 : memref<65024x4096xf32, #tpu.memory_space<hbm>>) target(%dma_start3A_346 : memref<4x4096xf32, #tpu.memory_space<vmem>>) offsets(%dma_start3A_349 : memref<4xi32, #tpu.memory_space<vmem>>) semaphore(%arg9 : memref<!tpu.dma_semaphore, #tpu.memory_space<semaphore_mem>>)
      } else {
      }
      %dma_wait3A_277 = arith.constant 3 : i32
      %dma_wait3A_278 = arith.constant 0 : i32
      %dma_wait3A_279 = arith.constant 0 : i32
      %dma_wait3A_280 = tpu.memref_slice %arg6[%dma_wait3A_277, %dma_wait3A_278, %dma_wait3A_279] : memref<4x4x4096xf32, #tpu.memory_space<vmem>> -> memref<1x4x4096xf32, #tpu.memory_space<vmem>>
      %dma_wait3A_281 = tpu.memref_squeeze %dma_wait3A_280 : memref<1x4x4096xf32, #tpu.memory_space<vmem>> -> memref<4x4096xf32, #tpu.memory_space<vmem>>
      %dma_wait3A_282 = arith.constant 0 : i32
      %dma_wait3A_283 = arith.constant 0 : i32
      %dma_wait3A_284 = tpu.memref_slice %arg3[%dma_wait3A_282, %dma_wait3A_283] : memref<65024x4096xf32, #tpu.memory_space<hbm>> -> memref<4x4096xf32, #tpu.memory_space<hbm>>
      %dma_wait3A_285 = arith.constant 0 : i32
      %dma_wait3A_286 = arith.constant 0 : i32
      %dma_wait3A_287 = tpu.memref_slice %arg6[%dma_wait3A_277, %dma_wait3A_285, %dma_wait3A_286] : memref<4x4x4096xf32, #tpu.memory_space<vmem>> -> memref<1x4x4096xf32, #tpu.memory_space<vmem>>
      %dma_wait3A_288 = tpu.memref_squeeze %dma_wait3A_287 : memref<1x4x4096xf32, #tpu.memory_space<vmem>> -> memref<4x4096xf32, #tpu.memory_space<vmem>>
      %dma_wait3A_289 = arith.constant 0 : i32
      %dma_wait3A_290 = arith.constant 0 : i32
      %dma_wait3A_291 = tpu.memref_slice %arg3[%dma_wait3A_289, %dma_wait3A_290] : memref<65024x4096xf32, #tpu.memory_space<hbm>> -> memref<4x4096xf32, #tpu.memory_space<hbm>>
      tpu.wait_dma2 semaphore(%arg11 : memref<!tpu.dma_semaphore, #tpu.memory_space<semaphore_mem>>) src(%dma_wait3A_291 : memref<4x4096xf32, #tpu.memory_space<hbm>>) dst(%dma_wait3A_288 : memref<4x4096xf32, #tpu.memory_space<vmem>>)
      %ge3A_292 = arith.constant 2 : i32
      %ge3A_293 = arith.cmpi sge, %add3A_269, %ge3A_292 : i32
      %convert_element_type3A_294 = arith.extui %ge3A_293 : i1 to i32
      %cond3A_295 = arith.constant 0 : i32
      %cond3A_296 = arith.cmpi ne, %convert_element_type3A_294, %cond3A_295 : i32
      scf.if %cond3A_296 {
        %dma_wait3A_340 = arith.constant 1 : i32
        %dma_wait3A_341 = arith.constant 0 : i32
        %dma_wait3A_342 = arith.constant 0 : i32
        %dma_wait3A_343 = tpu.memref_slice %arg4[%dma_wait3A_341, %dma_wait3A_342] : memref<8192x4096xf32, #tpu.memory_space<hbm>> -> memref<4x4096xf32, #tpu.memory_space<hbm>>
        %dma_wait3A_344 = arith.constant 0 : i32
        %dma_wait3A_345 = arith.constant 0 : i32
        %dma_wait3A_346 = tpu.memref_slice %arg7[%arg1, %dma_wait3A_340, %dma_wait3A_344, %dma_wait3A_345] : memref<16x2x4x4096xf32, #tpu.memory_space<vmem_shared>> -> memref<1x1x4x4096xf32, #tpu.memory_space<vmem_shared>>
        %dma_wait3A_347 = tpu.memref_squeeze %dma_wait3A_346 : memref<1x1x4x4096xf32, #tpu.memory_space<vmem_shared>> -> memref<4x4096xf32, #tpu.memory_space<vmem_shared>>
        tpu.wait_dma2 semaphore(%arg17 : memref<!tpu.dma_semaphore, #tpu.memory_space<semaphore_mem>>) src(%dma_wait3A_347 : memref<4x4096xf32, #tpu.memory_space<vmem_shared>>) dst(%dma_wait3A_343 : memref<4x4096xf32, #tpu.memory_space<hbm>>)
      } else {
      }
      %dma_start3A_297 = arith.constant 3 : i32
      %dma_start3A_298 = arith.constant 1 : i32
      %dma_start3A_299 = arith.constant 0 : i32
      %dma_start3A_300 = arith.constant 0 : i32
      %dma_start3A_301 = tpu.memref_slice %arg6[%dma_start3A_297, %dma_start3A_299, %dma_start3A_300] : memref<4x4x4096xf32, #tpu.memory_space<vmem>> -> memref<1x4x4096xf32, #tpu.memory_space<vmem>>
      %dma_start3A_302 = tpu.memref_squeeze %dma_start3A_301 : memref<1x4x4096xf32, #tpu.memory_space<vmem>> -> memref<4x4096xf32, #tpu.memory_space<vmem>>
      %dma_start3A_303 = arith.constant 0 : i32
      %dma_start3A_304 = arith.constant 0 : i32
      %dma_start3A_305 = tpu.memref_slice %arg7[%arg1, %dma_start3A_298, %dma_start3A_303, %dma_start3A_304] : memref<16x2x4x4096xf32, #tpu.memory_space<vmem_shared>> -> memref<1x1x4x4096xf32, #tpu.memory_space<vmem_shared>>
      %dma_start3A_306 = tpu.memref_squeeze %dma_start3A_305 : memref<1x1x4x4096xf32, #tpu.memory_space<vmem_shared>> -> memref<4x4096xf32, #tpu.memory_space<vmem_shared>>
      %dma_start3A_307 = arith.constant 0 : i32
      %dma_start3A_308 = arith.constant 0 : i32
      %dma_start3A_309 = tpu.memref_slice %arg7[%arg1, %dma_start3A_298, %dma_start3A_307, %dma_start3A_308] : memref<16x2x4x4096xf32, #tpu.memory_space<vmem_shared>> -> memref<1x1x4x4096xf32, #tpu.memory_space<vmem_shared>>
      %dma_start3A_310 = tpu.memref_squeeze %dma_start3A_309 : memref<1x1x4x4096xf32, #tpu.memory_space<vmem_shared>> -> memref<4x4096xf32, #tpu.memory_space<vmem_shared>>
      %dma_start3A_311 = arith.constant 0 : i32
      %dma_start3A_312 = arith.constant 0 : i32
      %dma_start3A_313 = tpu.memref_slice %arg6[%dma_start3A_297, %dma_start3A_311, %dma_start3A_312] : memref<4x4x4096xf32, #tpu.memory_space<vmem>> -> memref<1x4x4096xf32, #tpu.memory_space<vmem>>
      %dma_start3A_314 = tpu.memref_squeeze %dma_start3A_313 : memref<1x4x4096xf32, #tpu.memory_space<vmem>> -> memref<4x4096xf32, #tpu.memory_space<vmem>>
      tpu.enqueue_dma source(%dma_start3A_314 : memref<4x4096xf32, #tpu.memory_space<vmem>>) target(%dma_start3A_310 : memref<4x4096xf32, #tpu.memory_space<vmem_shared>>) target_semaphore(%arg15 : memref<!tpu.dma_semaphore, #tpu.memory_space<semaphore_mem>>)
      %dma_wait3A_315 = arith.constant 3 : i32
      %dma_wait3A_316 = arith.constant 0 : i32
      %dma_wait3A_317 = arith.constant 0 : i32
      %dma_wait3A_318 = tpu.memref_slice %arg6[%dma_wait3A_315, %dma_wait3A_316, %dma_wait3A_317] : memref<4x4x4096xf32, #tpu.memory_space<vmem>> -> memref<1x4x4096xf32, #tpu.memory_space<vmem>>
      %dma_wait3A_319 = tpu.memref_squeeze %dma_wait3A_318 : memref<1x4x4096xf32, #tpu.memory_space<vmem>> -> memref<4x4096xf32, #tpu.memory_space<vmem>>
      %dma_wait3A_320 = arith.constant 0 : i32
      %dma_wait3A_321 = arith.constant 0 : i32
      %dma_wait3A_322 = tpu.memref_slice %arg3[%dma_wait3A_320, %dma_wait3A_321] : memref<65024x4096xf32, #tpu.memory_space<hbm>> -> memref<4x4096xf32, #tpu.memory_space<hbm>>
      %dma_wait3A_323 = arith.constant 0 : i32
      %dma_wait3A_324 = arith.constant 0 : i32
      %dma_wait3A_325 = tpu.memref_slice %arg6[%dma_wait3A_315, %dma_wait3A_323, %dma_wait3A_324] : memref<4x4x4096xf32, #tpu.memory_space<vmem>> -> memref<1x4x4096xf32, #tpu.memory_space<vmem>>
      %dma_wait3A_326 = tpu.memref_squeeze %dma_wait3A_325 : memref<1x4x4096xf32, #tpu.memory_space<vmem>> -> memref<4x4096xf32, #tpu.memory_space<vmem>>
      %dma_wait3A_327 = arith.constant 0 : i32
      %dma_wait3A_328 = arith.constant 0 : i32
      %dma_wait3A_329 = tpu.memref_slice %arg3[%dma_wait3A_327, %dma_wait3A_328] : memref<65024x4096xf32, #tpu.memory_space<hbm>> -> memref<4x4096xf32, #tpu.memory_space<hbm>>
      tpu.wait_dma2 semaphore(%arg15 : memref<!tpu.dma_semaphore, #tpu.memory_space<semaphore_mem>>) src(%dma_wait3A_329 : memref<4x4096xf32, #tpu.memory_space<hbm>>) dst(%dma_wait3A_326 : memref<4x4096xf32, #tpu.memory_space<vmem>>)
      %mul3A_330 = arith.constant 4 : i32
      %mul3A_331 = arith.muli %add3A_269, %mul3A_330 : i32
      %add3A_332 = arith.addi %mul3A_2, %mul3A_331 : i32
      %dma_start3A_333 = arith.constant 1 : i32
      %dma_start3A_334 = arith.constant 0 : i32
      %dma_start3A_335 = tpu.memref_slice %arg4[%add3A_332, %dma_start3A_334] : memref<8192x4096xf32, #tpu.memory_space<hbm>> -> memref<4x4096xf32, #tpu.memory_space<hbm>>
      %dma_start3A_336 = arith.constant 0 : i32
      %dma_start3A_337 = arith.constant 0 : i32
      %dma_start3A_338 = tpu.memref_slice %arg7[%arg1, %dma_start3A_333, %dma_start3A_336, %dma_start3A_337] : memref<16x2x4x4096xf32, #tpu.memory_space<vmem_shared>> -> memref<1x1x4x4096xf32, #tpu.memory_space<vmem_shared>>
      %dma_start3A_339 = tpu.memref_squeeze %dma_start3A_338 : memref<1x1x4x4096xf32, #tpu.memory_space<vmem_shared>> -> memref<4x4096xf32, #tpu.memory_space<vmem_shared>>
      tpu.enqueue_dma source(%dma_start3A_339 : memref<4x4096xf32, #tpu.memory_space<vmem_shared>>) target(%dma_start3A_335 : memref<4x4096xf32, #tpu.memory_space<hbm>>) target_semaphore(%arg17 : memref<!tpu.dma_semaphore, #tpu.memory_space<semaphore_mem>>)
    }
    %scan3A_31 = arith.constant 16 : i32
    %dma_wait3A = arith.constant 0 : i32
    %dma_wait3A_32 = arith.constant 0 : i32
    %dma_wait3A_33 = arith.constant 0 : i32
    %dma_wait3A_34 = tpu.memref_slice %arg4[%dma_wait3A_32, %dma_wait3A_33] : memref<8192x4096xf32, #tpu.memory_space<hbm>> -> memref<4x4096xf32, #tpu.memory_space<hbm>>
    %dma_wait3A_35 = arith.constant 0 : i32
    %dma_wait3A_36 = arith.constant 0 : i32
    %dma_wait3A_37 = tpu.memref_slice %arg7[%arg1, %dma_wait3A, %dma_wait3A_35, %dma_wait3A_36] : memref<16x2x4x4096xf32, #tpu.memory_space<vmem_shared>> -> memref<1x1x4x4096xf32, #tpu.memory_space<vmem_shared>>
    %dma_wait3A_38 = tpu.memref_squeeze %dma_wait3A_37 : memref<1x1x4x4096xf32, #tpu.memory_space<vmem_shared>> -> memref<4x4096xf32, #tpu.memory_space<vmem_shared>>
    tpu.wait_dma2 semaphore(%arg16 : memref<!tpu.dma_semaphore, #tpu.memory_space<semaphore_mem>>) src(%dma_wait3A_38 : memref<4x4096xf32, #tpu.memory_space<vmem_shared>>) dst(%dma_wait3A_34 : memref<4x4096xf32, #tpu.memory_space<hbm>>)
    %dma_wait3A_39 = arith.constant 1 : i32
    %dma_wait3A_40 = arith.constant 0 : i32
    %dma_wait3A_41 = arith.constant 0 : i32
    %dma_wait3A_42 = tpu.memref_slice %arg4[%dma_wait3A_40, %dma_wait3A_41] : memref<8192x4096xf32, #tpu.memory_space<hbm>> -> memref<4x4096xf32, #tpu.memory_space<hbm>>
    %dma_wait3A_43 = arith.constant 0 : i32
    %dma_wait3A_44 = arith.constant 0 : i32
    %dma_wait3A_45 = tpu.memref_slice %arg7[%arg1, %dma_wait3A_39, %dma_wait3A_43, %dma_wait3A_44] : memref<16x2x4x4096xf32, #tpu.memory_space<vmem_shared>> -> memref<1x1x4x4096xf32, #tpu.memory_space<vmem_shared>>
    %dma_wait3A_46 = tpu.memref_squeeze %dma_wait3A_45 : memref<1x1x4x4096xf32, #tpu.memory_space<vmem_shared>> -> memref<4x4096xf32, #tpu.memory_space<vmem_shared>>
    tpu.wait_dma2 semaphore(%arg17 : memref<!tpu.dma_semaphore, #tpu.memory_space<semaphore_mem>>) src(%dma_wait3A_46 : memref<4x4096xf32, #tpu.memory_space<vmem_shared>>) dst(%dma_wait3A_42 : memref<4x4096xf32, #tpu.memory_space<hbm>>)
    return
  }
}

</mosaic_0001>

<sc_bundles>
// kernel: kernel.3.cloned.1.call-start
scs
__scs_entry_jumppad:
0x0: {  	(pc) =	sbr.rel $0x88, $3  }
0x1: {  	(tag) =	ssettag $0x0;
	lr =	simm.s32 $0x1  }
0x2: {  	[smem:$0x3F9F] =	sst lr;
	_ =	strace $0xD0000000  }
0x3: {  	_ = 	snop  }
0x4: {  	_ = 	snop  }
0x5: {  	_ = 	snop  }
0x6: {  	_ = 	snop  }
0x7: {  	_ = 	snop  }
__scs_overlays_trampoline_lowered:
0x8: {  	[smem:$0x3FAE] =	sst s0  }
0x9: {  	[smem:$0x3FAF] =	sst s1  }
0xa: {  	[smem:$0x3FB0] =	sst s2  }
0xb: {  	[smem:$0x3FB1] =	sst s3  }
0xc: {  	[smem:$0x3FB2] =	sst s4  }
0xd: {  	[smem:$0x3FB3] =	sst s5  }
0xe: {  	[smem:$0x3FB4] =	sst s6  }
0xf: {  	[smem:$0x3FB5] =	sst s7  }
0x10: {  	[smem:$0x3FB6] =	sst s8  }
0x11: {  	[smem:$0x3FB7] =	sst s9;
	s0 =	simm.s32 @!p0 $0x0  }
0x12: {  	s1 =	sld [smem:$0x3F9D];
	s0 =	simm.s32 @p0 $0x1  }
0x13: {  	[smem:$0x3FB8] =	sst s0;
	s0 =	simm.s32 @!p1 $0x0  }
0x14: {  	s2 =	sld [smem:$0x3F9C];
	s0 =	simm.s32 @p1 $0x1  }
0x15: {  	[smem:$0x3FB9] =	sst s0;
	s0 =	simm.s32 @!p2 $0x0  }
0x16: {  	s3 =	sld [smem:$0x3FDB];
	s0 =	simm.s32 @p2 $0x1  }
0x17: {  	s4 =	simm.s32 $0x1BF5;
	[smem:$0x3FBB] =	sst s0  }
0x18: {  	s0 =	sld [smem:$0x3F9E];
	_ =	swait.ge [sflag:s4], $0x0  }
0x19: {  	s7 =	sld [smem:$0x3F9F]  }
0x1a: {  	s8 =	sadd.s32 $0xFFFFE003, lr  }
0x1b: {  	s9 =	sadd.s32 $0xFFFFFEF7, lr;
	s5 =	simm.s32 $0xFFFFFFFF;
	p2 =	slt.u32 s8, $0xFFFFF086  }
0x1c: {  	p1 =	slt.u32 s9, $0xF7A;
	s5 =	simm.s32 @!p2 $0x0  }
0x1d: {  	s5 =	simm.s32 @p1 $0x1;
	p0 =	seq.s32 s7, s2  }
0x1e: {  	s7 =	smul.u32 @!p0 $0xF7A, s2;
	p2 =	seq.s32 @!p0 s5, $0x0  }
0x1f: {  	s9 =	smul.u32 $0xF7A, s1;
	s8 =	simm.s32 @!p0 $0x1BF5;
	p2 =	por !p2, p0  }
0x20: {  	[sflag:s8] =	ssyncset.s32 @!p0 $0xFFFFF086;
	s6 =	sadd.s32 @!p0 s3, s7;
	s7 =	simm.s32 @!p0 $0x108  }
0x21: {  	s3 =	sadd.s32 s3, s9;
	s6 =	sadd.s32 @!p0 $0x88, s6;
	s7 =	simm.s32 @p2 $0x1082  }
0x22: {  	[simem:s7], [sflag:s8] =	dma.local @!p0 [hbm:s6], $0xF7A  }
0x23: {  	s9 =	sor.u32 $0xD0000000, s2;
	s6 =	simm.s32 $0x108;
	_ =	swait.ge @!p0 [sflag:s8], $0x0  }
0x24: {  	s3 =	sadd.s32 $0x88, s3;
	s6 =	simm.s32 @!p1 $0x1082;
	[sflag:s4] =	ssyncset.s32 $0xFFFFF086  }
0x25: {  	[simem:s6], [sflag:s4] =	dma.local [hbm:s3], $0xF7A  }
0x26: {  	[smem:$0x3F9F] =	sst s1;
	(tag) =	ssettag s2;
	_ =	strace s9  }
0x27: {  	s1 =	sld [smem:$0x3FAF]  }
0x28: {  	s2 =	sld [smem:$0x3FB0]  }
0x29: {  	s4 =	sld [smem:$0x3FB2]  }
0x2a: {  	p0 =	seq.s32 s5, $0x0;
	s5 =	sld [smem:$0x3FB3]  }
0x2b: {  	s6 =	sld [smem:$0x3FB4]  }
0x2c: {  	s7 =	sld [smem:$0x3FB5]  }
0x2d: {  	s3 =	simm.s32 $0x108;
	s8 =	sld [smem:$0x3FB6]  }
0x2e: {  	s3 =	simm.s32 @!p0 $0x1082;
	s9 =	sld [smem:$0x3FB7]  }
0x2f: {  	lr =	sadd.s32 s0, s3;
	s0 =	sld [smem:$0x3FAE]  }
0x30: {  	s3 =	sld [smem:$0x3FB1]  }
0x31: {  	[smem:$0x3FBA] =	sst s10  }
0x32: {  	s10 =	sld [smem:$0x3FB8];
	_ =	sdelay $0x3  }
0x33: {  	p0 =	seq.s32 s10, $0x1;
	s10 =	sld [smem:$0x3FBA];
	_ =	sdelay $0x3  }
0x34: {  	[smem:$0x3FBA] =	sst s10  }
0x35: {  	s10 =	sld [smem:$0x3FB9];
	_ =	sdelay $0x3  }
0x36: {  	p1 =	seq.s32 s10, $0x1;
	s10 =	sld [smem:$0x3FBA];
	_ =	sdelay $0x3  }
0x37: {  	[smem:$0x3FBA] =	sst s10  }
0x38: {  	s10 =	sld [smem:$0x3FBB]  }
0x39: {  	_ = 	snop;
	(pc) =	sbr.ind lr, $3  }
0x3a: {  	_ = 	snop  }
0x3b: {  	_ = 	snop  }
0x3c: {  	p2 =	seq.s32 s10, $0x1;
	s10 =	sld [smem:$0x3FBA]  }
0x3d: {  	_ =	shalt  }
0x3e: {  	_ =	shalt  }
0x3f: {  	_ =	shalt  }
0x40: {  	_ =	shalt  }
0x41: {  	_ =	shalt  }
0x42: {  	_ =	shalt  }
0x43: {  	_ =	shalt  }
0x44: {  	_ =	shalt  }
0x45: {  	_ =	shalt  }
0x46: {  	_ =	shalt  }
0x47: {  	_ =	shalt  }
0x48: {  	_ =	shalt  }
0x49: {  	_ =	shalt  }
0x4a: {  	_ =	shalt  }
0x4b: {  	_ =	shalt  }
0x4c: {  	_ =	shalt  }
0x4d: {  	_ =	shalt  }
0x4e: {  	_ =	shalt  }
0x4f: {  	_ =	shalt  }
0x50: {  	_ =	shalt  }
0x51: {  	_ =	shalt  }
0x52: {  	_ =	shalt  }
0x53: {  	_ =	shalt  }
0x54: {  	_ =	shalt  }
0x55: {  	_ =	shalt  }
0x56: {  	_ =	shalt  }
0x57: {  	_ =	shalt  }
0x58: {  	_ =	shalt  }
0x59: {  	_ =	shalt  }
0x5a: {  	_ =	shalt  }
0x5b: {  	_ =	shalt  }
0x5c: {  	_ =	shalt  }
0x5d: {  	_ =	shalt  }
0x5e: {  	_ =	shalt  }
0x5f: {  	_ =	shalt  }
0x60: {  	_ =	shalt  }
0x61: {  	_ =	shalt  }
0x62: {  	_ =	shalt  }
0x63: {  	_ =	shalt  }
0x64: {  	_ =	shalt  }
0x65: {  	_ =	shalt  }
0x66: {  	_ =	shalt  }
0x67: {  	_ =	shalt  }
0x68: {  	_ =	shalt  }
0x69: {  	_ =	shalt  }
0x6a: {  	_ =	shalt  }
0x6b: {  	_ =	shalt  }
0x6c: {  	_ =	shalt  }
0x6d: {  	_ =	shalt  }
0x6e: {  	_ =	shalt  }
0x6f: {  	_ =	shalt  }
0x70: {  	_ =	shalt  }
0x71: {  	_ =	shalt  }
0x72: {  	_ =	shalt  }
0x73: {  	_ =	shalt  }
0x74: {  	_ =	shalt  }
0x75: {  	_ =	shalt  }
0x76: {  	_ =	shalt  }
0x77: {  	_ =	shalt  }
0x78: {  	_ =	shalt  }
0x79: {  	_ =	shalt  }
0x7a: {  	_ =	shalt  }
0x7b: {  	_ =	shalt  }
0x7c: {  	_ =	shalt  }
0x7d: {  	_ =	shalt  }
0x7e: {  	_ =	shalt  }
0x7f: {  	_ =	shalt  }
0x80: {  	_ =	shalt  }
0x81: {  	_ =	shalt  }
0x82: {  	_ =	shalt  }
0x83: {  	_ =	shalt  }
0x84: {  	_ =	shalt  }
0x85: {  	_ =	shalt  }
0x86: {  	_ =	shalt  }
0x87: {  	_ =	shalt  }
.Lfunc_end0:
.L_simem_size_0:
called_computation_lowered:
.L_overlay_start_0:
0x88: {  	s2 =	sld [smem:$0x3FD9]  }
0x89: {  	s3 =	sld [smem:$0x3FFE];
	_ =	sdelay $0x1  }
0x8a: {  	s1 =	srdreg.scid  }
0x8b: {  	s0 =	sand.u32 $0x1, s1  }
0x8c: {  	s17 =	sshll.u32 s0, $0xA;
	s2 =	sadd.s32 s3, s2  }
0x8d: {  	s2 =	sadd.s32 s2, s17  }
0x8e: {  	[smem:$0x3FC6] =	sst s2  }
0x8f: {  	_ = 	snop  }
0x90: {  	s2 =	sld [smem:$0x3FC8]  }
0x91: {  	s18 =	sld [smem:$0x3FD0];
	(tm) =	ssettm $0x1  }
0x92: {  	s4 =	sld [smem:$0x3FFB];
	_ =	sdelay $0x3  }
0x93: {  	_ =	strace s4  }
0x94: {  	s4 =	sld [smem:$0x3FFC];
	_ =	sdelay $0x3  }
0x95: {  	_ =	strace s4  }
0x96: {  	s4 =	sld [smem:$0x3FFD];
	_ =	sdelay $0x3  }
0x97: {  	_ =	strace s4  }
0x98: {  	_ =	strace $0x8FFFFFFF  }
0x99: {  	s19 =	sld [smem:$0x3FDB];
	_ =	sdelay $0x1  }
0x9a: {  	s5 =	simm.s32 $_scs_section_size  }
0x9b: {  	s6 =	simm.s32 $_size__tile_overlayer_lowered;
	s7 =	simm.s32 $_tile_overlayer_lowered  }
0x9c: {  	s22 =	simm.s32 $0x1BFF;
	s21 =	sshll.u32 s7, $0x1;
	s4 =	sadd.s32 s5, s19  }
0x9d: {  	s8 =	simm.s32 $0x0;
	s20 =	sshll.u32 s6, $0x1;
	s6 =	sadd.s32 s21, s4  }
0x9e: {  	[timem:s8], [sflag:s22] =	dma.local [hbm:s6], s20  }
0x9f: {  	_ =	swait.ge [sflag:s22], s20  }
0xa0: {  	s5 =	ssub.s32 $0x0, s20;
	[sflag:s22] =	ssyncset.done $0x0  }
0xa1: {  	[sflag:s22] =	ssyncadd.s32 s5;
	_ =	sdelay $0x1  }
0xa2: {  	s23 =	simm.s32 $0x1B8B  }
0xa3: {  	_ =	swait.ge [sflag:s23], $0x1  }
0xa4: {  	[sflag:s23] =	ssyncset.done $0x0  }
0xa5: {  	s25 =	simm.s32 $0x1B8E;
	s24 =	sld [smem:$0x3FFE];
	[sflag:s23] =	ssyncadd.s32 $0xFFFFFFFF  }
0xa6: {  	s26 =	simm.s32 $execute0_lowered;
	[smem:$0x3FD2] =	sst s25  }
0xa7: {  	s6 =	sshll.u32 s26, $0x1;
	_ =	strace $0x80000046;
	[dreg:$0x1] =	wrdreg $0xFFFFFFFF  }
0xa8: {  	s28 =	simm.s32 $_size_execute0_lowered;
	s4 =	sadd.s32 s4, s6;
	[dreg:$0x0] =	wrdreg $0x0  }
0xa9: {  	s6 =	sshll.u32 s28, $0x1;
	[dreg:$0x2] =	wrdreg s4  }
0xaa: {  	[dreg:$0x3] =	wrdreg s6  }
0xab: {  	[dreg:$0x4] =	wrdreg $0xC0  }
0xac: {  	_ =	task [dreg:s8], $0x5FFFF  }
0xad: {  	[dreg:$0x1] =	wrdreg $0xFFFFFFFF  }
0xae: {  	[dreg:$0x0] =	wrdreg $0x60  }
0xaf: {  	[dreg:$0x2] =	wrdreg s24  }
0xb0: {  	[dreg:$0x3] =	wrdreg s2  }
0xb1: {  	[dreg:$0x4] =	wrdreg s18  }
0xb2: {  	[dreg:$0x5] =	wrdreg $0x120000  }
0xb3: {  	[dreg:$0x6] =	wrdreg $0x9  }
0xb4: {  	_ =	task.clear_ibuf [dreg:s8], $0x7FFFF;
	_ =	strace $0x90000046  }
0xb5: {  	s29 =	simm.s32 $0x9;
	_ =	strace $0x80000048  }
0xb6: {  	_ =	swait.ge [sflag:s29], $0x1  }
0xb7: {  	[sflag:s29] =	ssyncadd.s32 $0xFFFFFFFF  }
0xb8: {  	_ =	strace $0x90000048  }
0xb9: {  	_ =	sfence  }
0xba: {  	s30 =	sld [smem:$0x0];
	_ =	sdelay $0x2  }
0xbb: {  	s31 =	sshll.u32 s1, $0xD;
	s1 =	sshrl.u32 s1, $0x2  }
0xbc: {  	s3 =	sand.u32 $0x4000, s31;
	s1 =	sadd.s32 s1, s30  }
0xbd: {  	s0 =	sor.u32 s3, s0;
	s1 =	sshll.u32 s1, $0x11  }
0xbe: {  	s0 =	sor.u32 s1, s0  }
0xbf: {  	s0 =	sadd.s32 $0x8F2B, s0  }
0xc0: {  	[sflag:s0] =	ssyncadd.remote.s32 $0x1  }
0xc1: {  	_ =	sfence.sel $0xFFFF  }
0xc2: {  	[dreg:$0x0] =	wrdreg $0xFFFFFFFF;
	(pc) =	sbr.abs _section_cstart, $3  }
0xc3: {  	[dreg:$0x1] =	wrdreg $0xFFFFFFFF  }
0xc4: {  	_ =	task.clear_ibuf [dreg:s8], $0x2FFFF;
	_ =	strace $0x9FFFFFFF  }
0xc5: {  	(tm) =	ssettm $0x7FFFFFFF  }
tec
execute0_lowered:
.L_overlay_start_1:
0x0: {  	(tag) =	ssettag $0x1  }
0x1: {  	s0 =	rddreg [dreg:$0x0]  }
0x2: {  	s1 =	rddreg [dreg:$0x1]  }
0x3: {  	s2 =	rddreg [dreg:$0x2]  }
0x4: {  	s4 =	rddreg [dreg:$0x3]  }
0x5: {  	s3 =	srdreg.scid;
	s16 =	stileid.u32;
	s24 =	simm.s32 $0xA800  }
0x6: {  	s26 =	simm.s32 $0xB000;
	s17 =	simm.s32 $0xC800;
	s18 =	simm.s32 $0xD000  }
0x7: {  	s19 =	simm.s32 $0xD800;
	s28 =	simm.s32 $0x3;
	s29 =	simm.s32 $0x9  }
0x8: {  	s30 =	simm.s32 $0x7;
	s31 =	simm.s32 $0xA;
	s9 =	sand.u32 $0x1, s3  }
0x9: {  	s3 =	simm.s32 $0x0;
	s5 =	sshll.u32 s16, $0xB;
	s7 =	sadd.s32 $0x600, s1  }
0xa: {  	s22 =	sshll.u32 s16, $0x12;
	s8 =	sadd.s32 $0x800, s1;
	s10 =	sadd.s32 $0xC00, s1  }
0xb: {  	s11 =	sadd.s32 $0xE00, s1;
	s25 =	sshll.u32 s16, $0xF;
	[smem:$0x7FF] =	sst s3  }
0xc: {  	s6 =	sshll.u32 s9, $0xA;
	_ =	strace $0x80000047;
	[dreg:$0x6] =	wrdreg s24  }
0xd: {  	s12 =	sadd.s32 s25, s4;
	s4 =	simm.s32 $0xC000;
	[dreg:$0x7] =	wrdreg s26  }
0xe: {  	s20 =	ssub.s32 $0x2, s9;
	s23 =	sshll.u32 s9, $0x11;
	[dreg:$0x9] =	wrdreg s4  }
0xf: {  	s9 =	sadd.s32 $0xA00, s1;
	s25 =	simm.s32 $0x11000;
	[dreg:$0xa] =	wrdreg s17  }
0x10: {  	s5 =	sor.u32 s6, s5;
	s21 =	sshrl.u32 s20, $0x1;
	[dreg:$0xb] =	wrdreg s18  }
0x11: {  	s6 =	sadd.s32 $0x400, s1;
	s13 =	sadd.s32 $0x4000, s12;
	[dreg:$0xc] =	wrdreg s19  }
0x12: {  	s17 =	simm.s32 $0x2000;
	s24 =	simm.s32 $0x10800;
	[dreg:$0x12] =	wrdreg s25  }
0x13: {  	s26 =	simm.s32 $0x11800;
	s18 =	simm.s32 $0x6000;
	s4 =	simm.s32 $0xA000  }
0x14: {  	s0 =	sadd.s32 s5, s0;
	s14 =	ssub.s32 s20, s21;
	[dreg:$0x11] =	wrdreg s24  }
0x15: {  	s5 =	sadd.s32 $0x200, s1;
	s20 =	simm.s32 $0xE800;
	[dreg:$0x13] =	wrdreg s26  }
0x16: {  	s21 =	simm.s32 $0xF000;
	s24 =	simm.s32 $0x5;
	[dreg:$0xd] =	wrdreg s20  }
0x17: {  	s26 =	simm.s32 $0x6;
	s0 =	sadd.s32 $0x400, s0;
	[dreg:$0xe] =	wrdreg s21  }
0x18: {  	s15 =	smax.u32 s14, $0x1;
	s20 =	simm.s32 $0x4;
	[dreg:$0x14] =	wrdreg s0  }
0x19: {  	s0 =	sadd.s32 s22, s2;
	s2 =	simm.s32 $0xB800;
	[dreg:$0x15] =	wrdreg s15  }
0x1a: {  	s21 =	simm.s32 $0x80;
	s22 =	simm.s32 $0xF800;
	[dreg:$0x8] =	wrdreg s2  }
0x1b: {  	v0 =	vlaneseq.u32;
	s14 =	simm.s32 $0x0;
	s0 =	sadd.s32 s23, s0;
	[dreg:$0xf] =	wrdreg s22  }
0x1c: {  	v1 =	vshrl.u32 v0, $0x2;
	s23 =	simm.s32 $0x10000;
	s22 =	simm.s32 $0x40;
	[dreg:$0x5] =	wrdreg s0  }
0x1d: {  	vm0 =	vmmov $0xffff;
	v0 =	vand.u32 $0x3, v0;
	v1 =	vmul.u32 $0x8, v1;
	[dreg:$0x10] =	wrdreg s23;
	s23 =	simm.s32 $0x1;
	s0 =	simm.s32 $0x8  }
.LBB2_1:
0x1e: {  	[dreg:$0x16] =	wrdreg s14  }
0x1f: {  	s2 =	rddreg [dreg:$0x14];
	s15 =	simm.s32 $0xB  }
0x20: {  	[tilespmem:s3], [sflag:$0xB] =	stream.linear.gather [hbm4b:s2+s3], $0x2000, $0x38;
	[tilespmem:$0x1A000] =	vst v63  }
0x21: {  	_ =	swait.ge [sflag:s15], $0x2000  }
0x22: {  	[sflag:s15] =	ssyncset.done $0x0  }
0x23: {  	[sflag:s15] =	ssyncadd.s32 $0xFFFFE000  }
0x24: {  	v2 =	vld.msk [tilespmem:$0x0], $0xf;
	_ =	sdelay $0x4  }
0x25: {  	v3 =	vshll.u32 v2, $0x5  }
0x26: {  	v2 =	vand.u32 $0x7, v2;
	v3 =	vand.u32 $0xFFFFFF00, v3  }
0x27: {  	v2 =	vor.u32 v2, v3  }
0x28: {  	v2 =	vperm.xlane v2, v0;
	_ =	sdelay $0x1  }
0x29: {  	v2 =	vadd.s32 v1, v2;
	_ =	sdelay $0x4  }
0x2a: {  	[tilespmem:s17], [sflag:$0x1] =	stream.indirect_vreg.gather [hbm4b:s1+s3], $0x80, v2, vm0, $0xb8;
	[tilespmem:$0x1A000] =	vst v63  }
0x2b: {  	s19 =	simm.s32 $0x2800  }
0x2c: {  	[tilespmem:s19], [sflag:$0x1] =	stream.indirect_vreg.gather [hbm4b:s5+s3], $0x80, v2, vm0, $0xb8;
	[tilespmem:$0x1A000] =	vst v63  }
0x2d: {  	s25 =	simm.s32 $0x3000  }
0x2e: {  	[tilespmem:s25], [sflag:$0x1] =	stream.indirect_vreg.gather [hbm4b:s6+s3], $0x80, v2, vm0, $0xb8;
	[tilespmem:$0x1A000] =	vst v63  }
0x2f: {  	s14 =	simm.s32 $0x3800  }
0x30: {  	[tilespmem:s14], [sflag:$0x1] =	stream.indirect_vreg.gather [hbm4b:s7+s3], $0x80, v2, vm0, $0xb8;
	[tilespmem:$0x1A000] =	vst v63  }
0x31: {  	s15 =	simm.s32 $0x4000  }
0x32: {  	[tilespmem:s15], [sflag:$0x1] =	stream.indirect_vreg.gather [hbm4b:s8+s3], $0x80, v2, vm0, $0xb8;
	[tilespmem:$0x1A000] =	vst v63  }
0x33: {  	s19 =	simm.s32 $0x4800  }
0x34: {  	[tilespmem:s19], [sflag:$0x1] =	stream.indirect_vreg.gather [hbm4b:s9+s3], $0x80, v2, vm0, $0xb8;
	[tilespmem:$0x1A000] =	vst v63  }
0x35: {  	s25 =	simm.s32 $0x5000  }
0x36: {  	[tilespmem:s25], [sflag:$0x1] =	stream.indirect_vreg.gather [hbm4b:s10+s3], $0x80, v2, vm0, $0xb8;
	[tilespmem:$0x1A000] =	vst v63  }
0x37: {  	s14 =	simm.s32 $0x5800  }
0x38: {  	[tilespmem:s14], [sflag:$0x1] =	stream.indirect_vreg.gather [hbm4b:s11+s3], $0x80, v2, vm0, $0xb8;
	[tilespmem:$0x1A000] =	vst v63  }
0x39: {  	v2 =	vld.msk [tilespmem:$0x80], $0xf;
	_ =	sdelay $0x4  }
0x3a: {  	v3 =	vshll.u32 v2, $0x5  }
0x3b: {  	v2 =	vand.u32 $0x7, v2;
	v3 =	vand.u32 $0xFFFFFF00, v3  }
0x3c: {  	v2 =	vor.u32 v2, v3  }
0x3d: {  	v2 =	vperm.xlane v2, v0;
	_ =	sdelay $0x1  }
0x3e: {  	v2 =	vadd.s32 v1, v2;
	_ =	sdelay $0x4  }
0x3f: {  	[tilespmem:s18], [sflag:$0x2] =	stream.indirect_vreg.gather [hbm4b:s1+s3], $0x80, v2, vm0, $0xb8;
	[tilespmem:$0x1A000] =	vst v63  }
0x40: {  	s15 =	simm.s32 $0x6800  }
0x41: {  	[tilespmem:s15], [sflag:$0x2] =	stream.indirect_vreg.gather [hbm4b:s5+s3], $0x80, v2, vm0, $0xb8;
	[tilespmem:$0x1A000] =	vst v63  }
0x42: {  	s19 =	simm.s32 $0x7000  }
0x43: {  	[tilespmem:s19], [sflag:$0x2] =	stream.indirect_vreg.gather [hbm4b:s6+s3], $0x80, v2, vm0, $0xb8;
	[tilespmem:$0x1A000] =	vst v63  }
0x44: {  	s25 =	simm.s32 $0x7800  }
0x45: {  	[tilespmem:s25], [sflag:$0x2] =	stream.indirect_vreg.gather [hbm4b:s7+s3], $0x80, v2, vm0, $0xb8;
	[tilespmem:$0x1A000] =	vst v63  }
0x46: {  	s14 =	simm.s32 $0x8000  }
0x47: {  	[tilespmem:s14], [sflag:$0x2] =	stream.indirect_vreg.gather [hbm4b:s8+s3], $0x80, v2, vm0, $0xb8;
	[tilespmem:$0x1A000] =	vst v63  }
0x48: {  	s15 =	simm.s32 $0x8800  }
0x49: {  	[tilespmem:s15], [sflag:$0x2] =	stream.indirect_vreg.gather [hbm4b:s9+s3], $0x80, v2, vm0, $0xb8;
	[tilespmem:$0x1A000] =	vst v63  }
0x4a: {  	s19 =	simm.s32 $0x9000  }
0x4b: {  	[tilespmem:s19], [sflag:$0x2] =	stream.indirect_vreg.gather [hbm4b:s10+s3], $0x80, v2, vm0, $0xb8;
	[tilespmem:$0x1A000] =	vst v63  }
0x4c: {  	s25 =	simm.s32 $0x9800;
	s14 =	simm.s32 $0x180;
	s15 =	simm.s32 $0x0  }
0x4d: {  	[tilespmem:s25], [sflag:$0x2] =	stream.indirect_vreg.gather [hbm4b:s11+s3], $0x80, v2, vm0, $0xb8;
	[tilespmem:$0x1A000] =	vst v63  }
.LBB2_2:
0x4e: {  	v2 =	vld.msk [tilespmem:s14+$0xFFFFFF80], $0xf;
	_ =	sdelay $0x4  }
0x4f: {  	v3 =	vshll.u32 v2, $0x5  }
0x50: {  	v2 =	vand.u32 $0x7, v2;
	v3 =	vand.u32 $0xFFFFFF00, v3  }
0x51: {  	v2 =	vor.u32 v2, v3  }
0x52: {  	v2 =	vperm.xlane v2, v0;
	_ =	sdelay $0x1  }
0x53: {  	v2 =	vadd.s32 v1, v2;
	_ =	sdelay $0x4  }
0x54: {  	[tilespmem:s4], [sflag:$0x3] =	stream.indirect_vreg.gather [hbm4b:s1+s3], $0x80, v2, vm0, $0xb8;
	[tilespmem:$0x1A000] =	vst v63  }
0x55: {  	s2 =	rddreg [dreg:$0x6]  }
0x56: {  	[tilespmem:s2], [sflag:$0x3] =	stream.indirect_vreg.gather [hbm4b:s5+s3], $0x80, v2, vm0, $0xb8;
	[tilespmem:$0x1A000] =	vst v63  }
0x57: {  	s4 =	rddreg [dreg:$0x7]  }
0x58: {  	[tilespmem:s4], [sflag:$0x3] =	stream.indirect_vreg.gather [hbm4b:s6+s3], $0x80, v2, vm0, $0xb8;
	[tilespmem:$0x1A000] =	vst v63  }
0x59: {  	s2 =	rddreg [dreg:$0x8]  }
0x5a: {  	[tilespmem:s2], [sflag:$0x3] =	stream.indirect_vreg.gather [hbm4b:s7+s3], $0x80, v2, vm0, $0xb8;
	[tilespmem:$0x1A000] =	vst v63  }
0x5b: {  	s4 =	rddreg [dreg:$0x9]  }
0x5c: {  	[tilespmem:s4], [sflag:$0x3] =	stream.indirect_vreg.gather [hbm4b:s8+s3], $0x80, v2, vm0, $0xb8;
	[tilespmem:$0x1A000] =	vst v63  }
0x5d: {  	s2 =	rddreg [dreg:$0xa]  }
0x5e: {  	[tilespmem:s2], [sflag:$0x3] =	stream.indirect_vreg.gather [hbm4b:s9+s3], $0x80, v2, vm0, $0xb8;
	[tilespmem:$0x1A000] =	vst v63  }
0x5f: {  	s4 =	rddreg [dreg:$0xb]  }
0x60: {  	[tilespmem:s4], [sflag:$0x3] =	stream.indirect_vreg.gather [hbm4b:s10+s3], $0x80, v2, vm0, $0xb8;
	[tilespmem:$0x1A000] =	vst v63  }
0x61: {  	s2 =	rddreg [dreg:$0xc]  }
0x62: {  	[tilespmem:s2], [sflag:$0x3] =	stream.indirect_vreg.gather [hbm4b:s11+s3], $0x80, v2, vm0, $0xb8;
	[tilespmem:$0x1A000] =	vst v63  }
0x63: {  	_ =	swait.ge [sflag:s23], $0x4000  }
0x64: {  	p0 =	seq.s32 s15, $0x0;
	[sflag:s23] =	ssyncset.done $0x0  }
0x65: {  	s2 =	simm.s32 @!p0 $0x9;
	[sflag:s23] =	ssyncadd.s32 $0xFFFFC000  }
0x66: {  	_ =	swait.ge @!p0 [sflag:s2], $0x800  }
0x67: {  	[sflag:s2] =	ssyncset.done @!p0 $0x0  }
0x68: {  	[sflag:s2] =	ssyncadd.s32 @!p0 $0xFFFFF800  }
0x69: {  	[spmem:s12] =	stream.linear.scatter [tilespmem:s17], [sflag:$0x5], $0x4000, $0x38;
	[tilespmem:$0x1A000] =	vst v63  }
0x6a: {  	s17 =	sshll.u32 s16, $0x6;
	_ =	swait.ge [sflag:s24], $0x4000  }
0x6b: {  	s16 =	sshrl.u32 s12, $0x3;
	s4 =	rddreg [dreg:$0x5];
	[sflag:s24] =	ssyncset.done $0x0  }
0x6c: {  	s2 =	sor.u32 $0x1C09, s17;
	[sflag:s24] =	ssyncadd.s32 $0xFFFFC000;
	s4 =	sadd.s32 s15, s4  }
0x6d: {  	[hbm:s4@s21], [sflag:s2] =	dma.strided [spmem:s16@s22], $0x800, s20, $0x10   }
0x6e: {  	v2 =	vld.msk [tilespmem:s14+$0x0], $0xf;
	_ =	sdelay $0x4  }
0x6f: {  	v3 =	vshll.u32 v2, $0x5  }
0x70: {  	v2 =	vand.u32 $0x7, v2;
	v3 =	vand.u32 $0xFFFFFF00, v3  }
0x71: {  	v2 =	vor.u32 v2, v3  }
0x72: {  	v2 =	vperm.xlane v2, v0;
	_ =	sdelay $0x1  }
0x73: {  	v2 =	vadd.s32 v1, v2;
	_ =	sdelay $0x3  }
0x74: {  	s25 =	simm.s32 $0xE000  }
0x75: {  	[tilespmem:s25], [sflag:$0x4] =	stream.indirect_vreg.gather [hbm4b:s1+s3], $0x80, v2, vm0, $0xb8;
	[tilespmem:$0x1A000] =	vst v63  }
0x76: {  	s24 =	rddreg [dreg:$0xd]  }
0x77: {  	[tilespmem:s24], [sflag:$0x4] =	stream.indirect_vreg.gather [hbm4b:s5+s3], $0x80, v2, vm0, $0xb8;
	[tilespmem:$0x1A000] =	vst v63  }
0x78: {  	s23 =	rddreg [dreg:$0xe]  }
0x79: {  	[tilespmem:s23], [sflag:$0x4] =	stream.indirect_vreg.gather [hbm4b:s6+s3], $0x80, v2, vm0, $0xb8;
	[tilespmem:$0x1A000] =	vst v63  }
0x7a: {  	s24 =	rddreg [dreg:$0xf]  }
0x7b: {  	[tilespmem:s24], [sflag:$0x4] =	stream.indirect_vreg.gather [hbm4b:s7+s3], $0x80, v2, vm0, $0xb8;
	[tilespmem:$0x1A000] =	vst v63  }
0x7c: {  	s23 =	rddreg [dreg:$0x10]  }
0x7d: {  	[tilespmem:s23], [sflag:$0x4] =	stream.indirect_vreg.gather [hbm4b:s8+s3], $0x80, v2, vm0, $0xb8;
	[tilespmem:$0x1A000] =	vst v63  }
0x7e: {  	s24 =	rddreg [dreg:$0x11]  }
0x7f: {  	[tilespmem:s24], [sflag:$0x4] =	stream.indirect_vreg.gather [hbm4b:s9+s3], $0x80, v2, vm0, $0xb8;
	[tilespmem:$0x1A000] =	vst v63  }
0x80: {  	s23 =	rddreg [dreg:$0x12]  }
0x81: {  	[tilespmem:s23], [sflag:$0x4] =	stream.indirect_vreg.gather [hbm4b:s10+s3], $0x80, v2, vm0, $0xb8;
	[tilespmem:$0x1A000] =	vst v63  }
0x82: {  	s25 =	simm.s32 $0x2;
	s24 =	rddreg [dreg:$0x13]  }
0x83: {  	[tilespmem:s24], [sflag:$0x4] =	stream.indirect_vreg.gather [hbm4b:s11+s3], $0x80, v2, vm0, $0xb8;
	[tilespmem:$0x1A000] =	vst v63  }
0x84: {  	_ =	swait.ge [sflag:s25], $0x4000  }
0x85: {  	[sflag:s25] =	ssyncset.done $0x0  }
0x86: {  	s23 =	simm.s32 @!p0 $0xA;
	[sflag:s25] =	ssyncadd.s32 $0xFFFFC000  }
0x87: {  	_ =	swait.ge @!p0 [sflag:s23], $0x800  }
0x88: {  	[sflag:s23] =	ssyncset.done @!p0 $0x0  }
0x89: {  	[sflag:s23] =	ssyncadd.s32 @!p0 $0xFFFFF800  }
0x8a: {  	[spmem:s13] =	stream.linear.scatter [tilespmem:s18], [sflag:$0x6], $0x4000, $0x38;
	[tilespmem:$0x1A000] =	vst v63  }
0x8b: {  	_ =	swait.ge [sflag:s26], $0x4000  }
0x8c: {  	s24 =	sor.u32 $0x1C0A, s17;
	s17 =	sshrl.u32 s13, $0x3;
	[sflag:s26] =	ssyncset.done $0x0  }
0x8d: {  	p0 =	seq.s32 s15, $0x1E000;
	s18 =	sadd.s32 $0x40, s4;
	[sflag:s26] =	ssyncadd.s32 $0xFFFFC000  }
0x8e: {  	[hbm:s18@s21], [sflag:s24] =	dma.strided [spmem:s17@s22], $0x800, s20, $0x10   }
0x8f: {  	v2 =	vld.msk @!p0 [tilespmem:s14+$0x80], $0xf;
	_ =	sdelay $0x4  }
0x90: {  	v3 =	vshll.u32 @!p0 v2, $0x5  }
0x91: {  	v4 =	vlaneseq.u32 @!p0;
	v2 =	vand.u32 @!p0 $0x7, v2;
	v3 =	vand.u32 @!p0 $0xFFFFFF00, v3  }
0x92: {  	v2 =	vor.u32 @!p0 v2, v3;
	v3 =	vand.u32 @!p0 $0x3, v4;
	v4 =	vshrl.u32 @!p0 v4, $0x2  }
0x93: {  	v2 =	vperm.xlane @!p0 v2, v3;
	v4 =	vmul.u32 @!p0 $0x8, v4;
	_ =	sdelay $0x1  }
0x94: {  	v2 =	vadd.s32 @!p0 v4, v2;
	_ =	sdelay $0x3  }
0x95: {  	vm1 =	vmmov @!p0 $0xffff;
	s23 =	simm.s32 @!p0 $0x0;
	s18 =	simm.s32 @!p0 $0x2000  }
0x96: {  	[tilespmem:s18], [sflag:$0x1] =	stream.indirect_vreg.gather @!p0 [hbm4b:s1+s23], $0x80, v2, vm1, $0xb8;
	[tilespmem:$0x1A000] =	vst v63  }
0x97: {  	s18 =	simm.s32 @!p0 $0x2800  }
0x98: {  	[tilespmem:s18], [sflag:$0x1] =	stream.indirect_vreg.gather @!p0 [hbm4b:s5+s23], $0x80, v2, vm1, $0xb8;
	[tilespmem:$0x1A000] =	vst v63  }
0x99: {  	s18 =	simm.s32 @!p0 $0x3000  }
0x9a: {  	[tilespmem:s18], [sflag:$0x1] =	stream.indirect_vreg.gather @!p0 [hbm4b:s6+s23], $0x80, v2, vm1, $0xb8;
	[tilespmem:$0x1A000] =	vst v63  }
0x9b: {  	s18 =	simm.s32 @!p0 $0x3800  }
0x9c: {  	[tilespmem:s18], [sflag:$0x1] =	stream.indirect_vreg.gather @!p0 [hbm4b:s7+s23], $0x80, v2, vm1, $0xb8;
	[tilespmem:$0x1A000] =	vst v63  }
0x9d: {  	s18 =	simm.s32 @!p0 $0x4000  }
0x9e: {  	[tilespmem:s18], [sflag:$0x1] =	stream.indirect_vreg.gather @!p0 [hbm4b:s8+s23], $0x80, v2, vm1, $0xb8;
	[tilespmem:$0x1A000] =	vst v63  }
0x9f: {  	s18 =	simm.s32 @!p0 $0x4800  }
0xa0: {  	[tilespmem:s18], [sflag:$0x1] =	stream.indirect_vreg.gather @!p0 [hbm4b:s9+s23], $0x80, v2, vm1, $0xb8;
	[tilespmem:$0x1A000] =	vst v63  }
0xa1: {  	s18 =	simm.s32 @!p0 $0x5000  }
0xa2: {  	[tilespmem:s18], [sflag:$0x1] =	stream.indirect_vreg.gather @!p0 [hbm4b:s10+s23], $0x80, v2, vm1, $0xb8;
	[tilespmem:$0x1A000] =	vst v63  }
0xa3: {  	s18 =	simm.s32 @!p0 $0x5800  }
0xa4: {  	[tilespmem:s18], [sflag:$0x1] =	stream.indirect_vreg.gather @!p0 [hbm4b:s11+s23], $0x80, v2, vm1, $0xb8;
	[tilespmem:$0x1A000] =	vst v63  }
0xa5: {  	_ =	swait.ge [sflag:s28], $0x4000  }
0xa6: {  	[sflag:s28] =	ssyncset.done $0x0  }
0xa7: {  	[sflag:s28] =	ssyncadd.s32 $0xFFFFC000  }
0xa8: {  	_ =	swait.ge [sflag:s29], $0x800  }
0xa9: {  	[sflag:s29] =	ssyncset.done $0x0  }
0xaa: {  	s19 =	simm.s32 $0xA000;
	[sflag:s29] =	ssyncadd.s32 $0xFFFFF800  }
0xab: {  	[spmem:s12] =	stream.linear.scatter [tilespmem:s19], [sflag:$0x7], $0x4000, $0x38;
	[tilespmem:$0x1A000] =	vst v63  }
0xac: {  	_ =	swait.ge [sflag:s30], $0x4000  }
0xad: {  	[sflag:s30] =	ssyncset.done $0x0  }
0xae: {  	s25 =	sadd.s32 $0x1000, s4;
	[sflag:s30] =	ssyncadd.s32 $0xFFFFC000  }
0xaf: {  	[hbm:s25@s21], [sflag:s2] =	dma.strided [spmem:s16@s22], $0x800, s20, $0x10   }
0xb0: {  	v2 =	vld.msk @!p0 [tilespmem:s14+$0x100], $0xf;
	_ =	sdelay $0x4  }
0xb1: {  	v5 =	vshll.u32 @!p0 v2, $0x5  }
0xb2: {  	v2 =	vand.u32 @!p0 $0x7, v2;
	v5 =	vand.u32 @!p0 $0xFFFFFF00, v5  }
0xb3: {  	v2 =	vor.u32 @!p0 v2, v5  }
0xb4: {  	v2 =	vperm.xlane @!p0 v2, v3;
	_ =	sdelay $0x1  }
0xb5: {  	v2 =	vadd.s32 @!p0 v4, v2;
	_ =	sdelay $0x3  }
0xb6: {  	s2 =	simm.s32 @!p0 $0x6000  }
0xb7: {  	[tilespmem:s2], [sflag:$0x2] =	stream.indirect_vreg.gather @!p0 [hbm4b:s1+s23], $0x80, v2, vm1, $0xb8;
	[tilespmem:$0x1A000] =	vst v63  }
0xb8: {  	s2 =	simm.s32 @!p0 $0x6800  }
0xb9: {  	[tilespmem:s2], [sflag:$0x2] =	stream.indirect_vreg.gather @!p0 [hbm4b:s5+s23], $0x80, v2, vm1, $0xb8;
	[tilespmem:$0x1A000] =	vst v63  }
0xba: {  	s2 =	simm.s32 @!p0 $0x7000  }
0xbb: {  	[tilespmem:s2], [sflag:$0x2] =	stream.indirect_vreg.gather @!p0 [hbm4b:s6+s23], $0x80, v2, vm1, $0xb8;
	[tilespmem:$0x1A000] =	vst v63  }
0xbc: {  	s2 =	simm.s32 @!p0 $0x7800  }
0xbd: {  	[tilespmem:s2], [sflag:$0x2] =	stream.indirect_vreg.gather @!p0 [hbm4b:s7+s23], $0x80, v2, vm1, $0xb8;
	[tilespmem:$0x1A000] =	vst v63  }
0xbe: {  	s2 =	simm.s32 @!p0 $0x8000  }
0xbf: {  	[tilespmem:s2], [sflag:$0x2] =	stream.indirect_vreg.gather @!p0 [hbm4b:s8+s23], $0x80, v2, vm1, $0xb8;
	[tilespmem:$0x1A000] =	vst v63  }
0xc0: {  	s2 =	simm.s32 @!p0 $0x8800  }
0xc1: {  	[tilespmem:s2], [sflag:$0x2] =	stream.indirect_vreg.gather @!p0 [hbm4b:s9+s23], $0x80, v2, vm1, $0xb8;
	[tilespmem:$0x1A000] =	vst v63  }
0xc2: {  	s2 =	simm.s32 @!p0 $0x9000  }
0xc3: {  	[tilespmem:s2], [sflag:$0x2] =	stream.indirect_vreg.gather @!p0 [hbm4b:s10+s23], $0x80, v2, vm1, $0xb8;
	[tilespmem:$0x1A000] =	vst v63  }
0xc4: {  	s2 =	simm.s32 @!p0 $0x9800  }
0xc5: {  	[tilespmem:s2], [sflag:$0x2] =	stream.indirect_vreg.gather @!p0 [hbm4b:s11+s23], $0x80, v2, vm1, $0xb8;
	[tilespmem:$0x1A000] =	vst v63  }
0xc6: {  	_ =	swait.ge [sflag:s20], $0x4000  }
0xc7: {  	[sflag:s20] =	ssyncset.done $0x0  }
0xc8: {  	[sflag:s20] =	ssyncadd.s32 $0xFFFFC000  }
0xc9: {  	_ =	swait.ge [sflag:s31], $0x800  }
0xca: {  	s15 =	sadd.s32 $0x2000, s15;
	[sflag:s31] =	ssyncset.done $0x0  }
0xcb: {  	s19 =	simm.s32 $0xE000;
	p0 =	sne.s32 s15, $0x20000;
	[sflag:s31] =	ssyncadd.s32 $0xFFFFF800  }
0xcc: {  	[spmem:s13] =	stream.linear.scatter [tilespmem:s19], [sflag:$0x8], $0x4000, $0x38;
	[tilespmem:$0x1A000] =	vst v63  }
.Ltmp0:
0xcd: {  	s18 =	simm.s32 $0x6000;
	_ =	swait.ge [sflag:s0], $0x4000;
	(pc) =	sbr.rel @p0 .LBB2_2-.Ltmp0, $4  }
0xce: {  	s16 =	stileid.u32;
	s25 =	sadd.s32 $0x1040, s4;
	[sflag:s0] =	ssyncset.done $0x0  }
0xcf: {  	s4 =	simm.s32 $0xA000;
	s14 =	sadd.s32 $0x200, s14;
	[sflag:s0] =	ssyncadd.s32 $0xFFFFC000  }
0xd0: {  	[hbm:s25@s21], [sflag:s24] =	dma.strided [spmem:s17@s22], $0x800, s20, $0x10   }
0xd1: {  	s23 =	simm.s32 $0x1;
	s24 =	simm.s32 $0x5;
	s17 =	simm.s32 $0x2000  }
0xd2: {  	_ =	swait.ge [sflag:s29], $0x800  }
0xd3: {  	[sflag:s29] =	ssyncset.done $0x0  }
0xd4: {  	[sflag:s29] =	ssyncadd.s32 $0xFFFFF800  }
0xd5: {  	_ =	swait.ge [sflag:s31], $0x800  }
0xd6: {  	s14 =	rddreg [dreg:$0x16]  }
0xd7: {  	s2 =	rddreg [dreg:$0x15];
	s14 =	sadd.s32 $0x1, s14  }
0xd8: {  	p0 =	sne.s32 s14, s2  }
.Ltmp1:
0xd9: {  	_ = 	snop;
	(pc) =	sbr.rel @p0 .LBB2_1-.Ltmp1, $3  }
0xda: {  	_ =	sdelay $0x1  }
0xdb: {  	[sflag:s31] =	ssyncset.done $0x0  }
0xdc: {  	[sflag:s31] =	ssyncadd.s32 $0xFFFFF800  }
0xdd: {  	_ =	sfence.sel $0x180000  }
0xde: {  	[bflag:$0x0] =	sbarrier.arrive $0xFFFF  }
0xdf: {  	_ =	strace $0x90000047  }
0xe0: {  	[bflag:$0x2] =	sbarrier.arrive $0xFFFF  }
0xe1: {  	p0 =	sne.s32 s16, $0x0;
	s0 =	rddreg [dreg:$0x4]  }
0xe2: {  	s0 =	sadd.s32 @!p0 $0x100000, s0  }
0xe3: {  	[sflag:s0] =	ssyncadd.tile.s32 @!p0 $0x1;
	_ =	shalt  }
.Lfunc_end2:
_tile_overlayer_lowered:
.L_overlay_start_2:
0xe4: {  	(tag) =	ssettag $0x2  }
0xe5: {  	s0 =	rddreg [dreg:$0x0];
	s2 =	stileid.u32  }
0xe6: {  	s1 =	rddreg [dreg:$0x1];
	p0 =	sne.s32 s2, $0x0  }
0xe7: {  	s3 =	rddreg [dreg:$0x2];
	[bflag:$0x3] =	sbarrier.arrive $0xFFFF;
	s2 =	simm.s32 @!p0 $0x1C0B  }
0xe8: {  	[timem:s3], [sflag:s2] =	dma.local @!p0 [hbm:s0], s1  }
0xe9: {  	s0 =	simm.s32 @!p0 $0xB  }
0xea: {  	_ =	swait.ge @!p0 [sflag:s0], s1  }
0xeb: {  	s1 =	ssub.s32 @!p0 $0x0, s1;
	[sflag:s0] =	ssyncset.done @!p0 $0x0  }
0xec: {  	[sflag:s0] =	ssyncadd.s32 @!p0 s1  }
0xed: {  	[bflag:$0x3] =	sbarrier.arrive $0xFFFF  }
0xee: {  	_ =	shalt  }

</sc_bundles>
